<compile_context>
chip_gen: v7x
topology: tpu7x:2x2x1
jax: 0.10.2.dev20260603
libtpu: 0.0.44.dev20260713+nightly
codegen_flags: <defaults>
</compile_context>

<pallas_src>
import functools

import jax
import jax.numpy as jnp
from jax import lax
from jax.experimental import pallas as pl
from jax.experimental.pallas import tpu as pltpu
from jax.experimental.pallas import tpu_sc as plsc

N = 10000
NP = 10240
D_IN = 128
H = 64
OUT = 32
E = 320000

NC, NS = 2, 16
NW = NC * NS
C = 128
CHUNKS = 2560
EPAD = CHUNKS * C
CPT = CHUNKS // NW
RPT = NP // NS

_mesh = functools.partial(
    plsc.VectorSubcoreMesh, core_axis_name="c", subcore_axis_name="s")
_sc_params = pltpu.CompilerParams(use_tc_tiling_on_sc=False)


@functools.partial(
    pl.kernel,
    out_type=jax.ShapeDtypeStruct((NC, 2, NP, 8), jnp.float32),
    mesh=_mesh(),
    scratch_types=[
        pltpu.VMEM((CPT, C), jnp.int32),
        pltpu.VMEM((CPT, C), jnp.int32),
        pltpu.VMEM((C, 8), jnp.float32),
        pltpu.VMEM_SHARED((NP, 8), jnp.float32),
        pltpu.VMEM_SHARED((NP, 8), jnp.float32),
    ],
    compiler_params=_sc_params,
)
def _deg_kernel(dst1_hbm, dst2_hbm, ones_hbm, zeros_hbm, out_hbm,
                idx1_sc, idx2_sc, ones_v, d1_sh, d2_sh):
    cc = lax.axis_index("c")
    s = lax.axis_index("s")
    w = s * NC + cc
    pltpu.sync_copy(ones_hbm, ones_v)
    pltpu.sync_copy(dst1_hbm.at[pl.ds(w * CPT, CPT)], idx1_sc)
    pltpu.sync_copy(dst2_hbm.at[pl.ds(w * CPT, CPT)], idx2_sc)
    pltpu.sync_copy(zeros_hbm.at[pl.ds(s * RPT, RPT)],
                    d1_sh.at[pl.ds(s * RPT, RPT)])
    pltpu.sync_copy(zeros_hbm.at[pl.ds(s * RPT, RPT)],
                    d2_sh.at[pl.ds(s * RPT, RPT)])
    plsc.subcore_barrier()

    def body(j, _):
        pltpu.sync_copy(ones_v, d1_sh.at[idx1_sc.at[j]], add=True)
        pltpu.sync_copy(ones_v, d2_sh.at[idx2_sc.at[j]], add=True)
        return _

    lax.fori_loop(0, CPT, body, 0)
    plsc.subcore_barrier()
    pltpu.sync_copy(d1_sh.at[pl.ds(s * RPT, RPT)],
                    out_hbm.at[cc, 0, pl.ds(s * RPT, RPT)])
    pltpu.sync_copy(d2_sh.at[pl.ds(s * RPT, RPT)],
                    out_hbm.at[cc, 1, pl.ds(s * RPT, RPT)])


def _make_agg(D):
    @functools.partial(
        pl.kernel,
        out_type=jax.ShapeDtypeStruct((NC, NP, D), jnp.float32),
        mesh=_mesh(),
        scratch_types=[
            pltpu.VMEM((CPT, C), jnp.int32),
            pltpu.VMEM((CPT, C), jnp.int32),
            pltpu.VMEM((C, D), jnp.float32),
            pltpu.VMEM((C, D), jnp.float32),
            pltpu.VMEM_SHARED((NP, D), jnp.float32),
            pltpu.VMEM_SHARED((NP, D), jnp.float32),
            pltpu.SemaphoreType.DMA,
            pltpu.SemaphoreType.DMA,
        ],
        compiler_params=_sc_params,
    )
    def _agg(g_hbm, src_hbm, dst_hbm, out_hbm, src_sc, dst_sc,
             rows0, rows1, acc_sh, g_sh, sem0, sem1):
        cc = lax.axis_index("c")
        s = lax.axis_index("s")
        w = s * NC + cc
        pltpu.sync_copy(src_hbm.at[pl.ds(w * CPT, CPT)], src_sc)
        pltpu.sync_copy(dst_hbm.at[pl.ds(w * CPT, CPT)], dst_sc)
        pltpu.sync_copy(g_hbm.at[pl.ds(s * RPT, RPT)],
                        g_sh.at[pl.ds(s * RPT, RPT)])
        pltpu.sync_copy(g_hbm.at[pl.ds(s * RPT, RPT)],
                        acc_sh.at[pl.ds(s * RPT, RPT)])
        plsc.subcore_barrier()

        pltpu.async_copy(g_sh.at[src_sc.at[0]], rows0, sem0)
        pltpu.async_copy(g_sh.at[src_sc.at[1]], rows1, sem1)

        def body(j, _):
            k = 2 * j
            pltpu.make_async_copy(g_sh.at[pl.ds(0, C)], rows0, sem0).wait()
            pltpu.sync_copy(rows0, acc_sh.at[dst_sc.at[k]], add=True)
            pltpu.async_copy(g_sh.at[src_sc.at[k + 2]], rows0, sem0)
            pltpu.make_async_copy(g_sh.at[pl.ds(0, C)], rows1, sem1).wait()
            pltpu.sync_copy(rows1, acc_sh.at[dst_sc.at[k + 1]], add=True)
            pltpu.async_copy(g_sh.at[src_sc.at[k + 3]], rows1, sem1)
            return _

        lax.fori_loop(0, CPT // 2 - 1, body, 0)
        pltpu.make_async_copy(g_sh.at[pl.ds(0, C)], rows0, sem0).wait()
        pltpu.sync_copy(rows0, acc_sh.at[dst_sc.at[CPT - 2]], add=True)
        pltpu.make_async_copy(g_sh.at[pl.ds(0, C)], rows1, sem1).wait()
        pltpu.sync_copy(rows1, acc_sh.at[dst_sc.at[CPT - 1]], add=True)

        plsc.subcore_barrier()
        pltpu.sync_copy(acc_sh.at[pl.ds(s * RPT, RPT)],
                        out_hbm.at[cc, pl.ds(s * RPT, RPT)])

    return _agg


_agg64 = _make_agg(H)
_agg32 = _make_agg(OUT)


BLK = 1024
GRID = NP // BLK

_deg_spec = pl.BlockSpec((NC, 2, BLK, 8), lambda i: (0, 0, i, 0))


def _dinv(degp_ref, layer):
    deg = degp_ref[0, layer, :, 0] + degp_ref[1, layer, :, 0] + 1.0
    return lax.rsqrt(deg)


def _mm1_body(x_ref, w1_ref, degp_ref, g1_ref):
    h = jnp.dot(x_ref[...], w1_ref[...], preferred_element_type=jnp.float32)
    g1_ref[...] = h * _dinv(degp_ref, 0)[:, None]


_mm1 = pl.pallas_call(
    _mm1_body,
    grid=(GRID,),
    in_specs=[
        pl.BlockSpec((BLK, D_IN), lambda i: (i, 0)),
        pl.BlockSpec((D_IN, H), lambda i: (0, 0)),
        _deg_spec,
    ],
    out_specs=pl.BlockSpec((BLK, H), lambda i: (i, 0)),
    out_shape=jax.ShapeDtypeStruct((NP, H), jnp.float32),
)


def _mm2_body(s1p_ref, g1_ref, degp_ref, b1_ref, w2_ref, g2_ref):
    comb = s1p_ref[0] + s1p_ref[1] - g1_ref[...]
    a = jnp.maximum(_dinv(degp_ref, 0)[:, None] * comb + b1_ref[...], 0.0)
    h2 = jnp.dot(a, w2_ref[...], preferred_element_type=jnp.float32)
    g2_ref[...] = h2 * _dinv(degp_ref, 1)[:, None]


_mm2 = pl.pallas_call(
    _mm2_body,
    grid=(GRID,),
    in_specs=[
        pl.BlockSpec((NC, BLK, H), lambda i: (0, i, 0)),
        pl.BlockSpec((BLK, H), lambda i: (i, 0)),
        _deg_spec,
        pl.BlockSpec((1, H), lambda i: (0, 0)),
        pl.BlockSpec((H, OUT), lambda i: (0, 0)),
    ],
    out_specs=pl.BlockSpec((BLK, OUT), lambda i: (i, 0)),
    out_shape=jax.ShapeDtypeStruct((NP, OUT), jnp.float32),
)


def _fin_body(s2p_ref, g2_ref, degp_ref, b2_ref, z_ref):
    comb = s2p_ref[0] + s2p_ref[1] - g2_ref[...]
    z_ref[...] = _dinv(degp_ref, 1)[:, None] * comb + b2_ref[...]


_fin = pl.pallas_call(
    _fin_body,
    grid=(GRID,),
    in_specs=[
        pl.BlockSpec((NC, BLK, OUT), lambda i: (0, i, 0)),
        pl.BlockSpec((BLK, OUT), lambda i: (i, 0)),
        _deg_spec,
        pl.BlockSpec((1, OUT), lambda i: (0, 0)),
    ],
    out_specs=pl.BlockSpec((BLK, OUT), lambda i: (i, 0)),
    out_shape=jax.ShapeDtypeStruct((NP, OUT), jnp.float32),
)


def _pad2d(v):
    fill = jnp.full((EPAD - E,), NP - 1, jnp.int32)
    return jnp.concatenate([v, fill]).reshape(CHUNKS, C)


@jax.jit
def _run(x, edge_index1, edge_index2, W1, b1, W2, b2):
    xp = jnp.zeros((NP, D_IN), jnp.float32).at[:N].set(x)
    src1, dst1 = _pad2d(edge_index1[0]), _pad2d(edge_index1[1])
    src2, dst2 = _pad2d(edge_index2[0]), _pad2d(edge_index2[1])
    ones = jnp.ones((C, 8), jnp.float32)
    zeros = jnp.zeros((NP, 8), jnp.float32)

    degp = _deg_kernel(dst1, dst2, ones, zeros)
    g1 = _mm1(xp, W1, degp)
    s1p = _agg64(g1, src1, dst1)
    g2 = _mm2(s1p, g1, degp, b1.reshape(1, H), W2)
    s2p = _agg32(g2, src2, dst2)
    z = _fin(s2p, g2, degp, b2.reshape(1, OUT))
    return z[:N]


def kernel(x, edge_index1, edge_index2, W1, b1, W2, b2):
    return _run(x, edge_index1, edge_index2, W1, b1, W2, b2)

# --- scband reference (transcript-rebuilt; emitter-appended) ---
"""Pipeline reference for scband-net-23828478558452 (READ-ONLY COPY).

The authoritative reference and input builder live on the scoring server;
editing this copy changes nothing except your own understanding.
"""

import jax, jax.numpy as jnp
import numpy as np

N = 10000
D_IN = 128
H = 64
OUT = 32
E = 320000


def _glorot(key, fan_in, fan_out):
    limit = np.sqrt(6.0 / (fan_in + fan_out)) * np.sqrt(2.0)  # xavier with relu gain-ish scale
    return jax.random.uniform(key, (fan_in, fan_out), dtype=jnp.float32, minval=-limit, maxval=limit)


def setup_inputs(seed: int = 0) -> dict:
    key = jax.random.key(seed)
    k1, k2, k3, k4, k5 = jax.random.split(key, 5)
    x = jax.random.normal(k1, (N, D_IN), dtype=jnp.float32)
    edge_index1 = jax.random.randint(k2, (2, E), 0, N, dtype=jnp.int32)
    edge_index2 = jax.random.randint(k3, (2, E), 0, N, dtype=jnp.int32)
    W1 = _glorot(k4, D_IN, H)
    b1 = jnp.zeros((H,), dtype=jnp.float32)
    W2 = _glorot(k5, H, OUT)
    b2 = jnp.zeros((OUT,), dtype=jnp.float32)
    return {"x": x, "edge_index1": edge_index1, "edge_index2": edge_index2,
            "W1": W1, "b1": b1, "W2": W2, "b2": b2}


def gcn_conv(x, edge_index, W, b):
    # GCNConv: add self-loops, symmetric degree normalization, linear transform, scatter-add aggregate
    n = x.shape[0]
    src = edge_index[0]
    dst = edge_index[1]
    loop = jnp.arange(n, dtype=src.dtype)
    src = jnp.concatenate([src, loop])
    dst = jnp.concatenate([dst, loop])
    deg = jnp.zeros((n,), dtype=x.dtype).at[dst].add(1.0)
    dinv = jnp.where(deg > 0, deg ** -0.5, 0.0)
    norm = dinv[src] * dinv[dst]
    h = x @ W
    msg = h[src] * norm[:, None]
    out = jnp.zeros((n, W.shape[1]), dtype=x.dtype).at[dst].add(msg)
    return out + b


def reference(x, edge_index1, edge_index2, W1, b1, W2, b2):
    # Net.encode: conv1 -> relu -> conv2 (full-graph edge_index for each layer)
    h = jax.nn.relu(gcn_conv(x, edge_index1, W1, b1))
    z = gcn_conv(h, edge_index2, W2, b2)
    return z

if __name__ == "__main__":
    import jax
    _d = setup_inputs()
    print(jax.jit(kernel)(*tuple(_d.values())))

</pallas_src>

<mosaic_0001>
#map = affine_map<(d0, d1) -> (0, 0)>
#map1 = affine_map<(d0, d1) -> (0, 0, 0)>
module attributes {stable_mosaic.version = 14 : i64} {
  func.func @_agg(%arg0: i32, %arg1: i32, %arg2: memref<10240x64xf32, #tpu.memory_space<hbm>>, %arg3: memref<2560x128xi32, #tpu.memory_space<hbm>>, %arg4: memref<2560x128xi32, #tpu.memory_space<hbm>>, %arg5: memref<2x10240x64xf32, #tpu.memory_space<hbm>>, %arg6: memref<80x128xi32, #tpu.memory_space<vmem>>, %arg7: memref<80x128xi32, #tpu.memory_space<vmem>>, %arg8: memref<128x64xf32, #tpu.memory_space<vmem>>, %arg9: memref<128x64xf32, #tpu.memory_space<vmem>>, %arg10: memref<10240x64xf32, #tpu.memory_space<vmem_shared>>, %arg11: memref<10240x64xf32, #tpu.memory_space<vmem_shared>>, %arg12: memref<!tpu.dma_semaphore, #tpu.memory_space<semaphore_mem>>, %arg13: memref<!tpu.dma_semaphore, #tpu.memory_space<semaphore_mem>>) attributes {dimension_semantics = [#tpu.dimension_semantics<core_parallel>, #tpu.dimension_semantics<subcore_parallel>], iteration_bounds = array<i64: 2, 16>, scalar_prefetch = 0 : i64, scratch_operands = 8 : i64, tpu.core_type = #tpu.core_type<sc_vector_subcore>, window_params = [{transform_indices = #map}, {transform_indices = #map}, {transform_indices = #map}, {transform_indices = #map1}]} {
    %mul3A = arith.constant 2 : i32
    %mul3A_0 = arith.muli %arg1, %mul3A : i32
    %add3A = arith.addi %mul3A_0, %arg0 : i32
    %mul3A_1 = arith.constant 80 : i32
    %mul3A_2 = arith.muli %add3A, %mul3A_1 : i32
    "tpu.region"() ({
      %run_scoped3A_48 = tpu.sem_alloc : memref<!tpu.dma_semaphore, #tpu.memory_space<semaphore_mem>>
      %dma_start3A_49 = arith.constant 0 : i32
      %dma_start3A_50 = tpu.memref_slice %arg3[%mul3A_2, %dma_start3A_49] : memref<2560x128xi32, #tpu.memory_space<hbm>> -> memref<80x128xi32, #tpu.memory_space<hbm>>
      %dma_start3A_51 = arith.constant 0 : i32
      %dma_start3A_52 = tpu.memref_slice %arg3[%mul3A_2, %dma_start3A_51] : memref<2560x128xi32, #tpu.memory_space<hbm>> -> memref<80x128xi32, #tpu.memory_space<hbm>>
      tpu.enqueue_dma source(%dma_start3A_52 : memref<80x128xi32, #tpu.memory_space<hbm>>) target(%arg6 : memref<80x128xi32, #tpu.memory_space<vmem>>) target_semaphore(%run_scoped3A_48 : memref<!tpu.dma_semaphore, #tpu.memory_space<semaphore_mem>>)
      %dma_wait3A_53 = arith.constant 0 : i32
      %dma_wait3A_54 = tpu.memref_slice %arg3[%mul3A_2, %dma_wait3A_53] : memref<2560x128xi32, #tpu.memory_space<hbm>> -> memref<80x128xi32, #tpu.memory_space<hbm>>
      %dma_wait3A_55 = arith.constant 0 : i32
      %dma_wait3A_56 = tpu.memref_slice %arg3[%mul3A_2, %dma_wait3A_55] : memref<2560x128xi32, #tpu.memory_space<hbm>> -> memref<80x128xi32, #tpu.memory_space<hbm>>
      tpu.wait_dma2 semaphore(%run_scoped3A_48 : memref<!tpu.dma_semaphore, #tpu.memory_space<semaphore_mem>>) src(%dma_wait3A_56 : memref<80x128xi32, #tpu.memory_space<hbm>>) dst(%arg6 : memref<80x128xi32, #tpu.memory_space<vmem>>)
      tpu.yield
    }) : () -> ()
    %mul3A_3 = arith.constant 80 : i32
    %mul3A_4 = arith.muli %add3A, %mul3A_3 : i32
    "tpu.region"() ({
      %run_scoped3A_48 = tpu.sem_alloc : memref<!tpu.dma_semaphore, #tpu.memory_space<semaphore_mem>>
      %dma_start3A_49 = arith.constant 0 : i32
      %dma_start3A_50 = tpu.memref_slice %arg4[%mul3A_4, %dma_start3A_49] : memref<2560x128xi32, #tpu.memory_space<hbm>> -> memref<80x128xi32, #tpu.memory_space<hbm>>
      %dma_start3A_51 = arith.constant 0 : i32
      %dma_start3A_52 = tpu.memref_slice %arg4[%mul3A_4, %dma_start3A_51] : memref<2560x128xi32, #tpu.memory_space<hbm>> -> memref<80x128xi32, #tpu.memory_space<hbm>>
      tpu.enqueue_dma source(%dma_start3A_52 : memref<80x128xi32, #tpu.memory_space<hbm>>) target(%arg7 : memref<80x128xi32, #tpu.memory_space<vmem>>) target_semaphore(%run_scoped3A_48 : memref<!tpu.dma_semaphore, #tpu.memory_space<semaphore_mem>>)
      %dma_wait3A_53 = arith.constant 0 : i32
      %dma_wait3A_54 = tpu.memref_slice %arg4[%mul3A_4, %dma_wait3A_53] : memref<2560x128xi32, #tpu.memory_space<hbm>> -> memref<80x128xi32, #tpu.memory_space<hbm>>
      %dma_wait3A_55 = arith.constant 0 : i32
      %dma_wait3A_56 = tpu.memref_slice %arg4[%mul3A_4, %dma_wait3A_55] : memref<2560x128xi32, #tpu.memory_space<hbm>> -> memref<80x128xi32, #tpu.memory_space<hbm>>
      tpu.wait_dma2 semaphore(%run_scoped3A_48 : memref<!tpu.dma_semaphore, #tpu.memory_space<semaphore_mem>>) src(%dma_wait3A_56 : memref<80x128xi32, #tpu.memory_space<hbm>>) dst(%arg7 : memref<80x128xi32, #tpu.memory_space<vmem>>)
      tpu.yield
    }) : () -> ()
    %mul3A_5 = arith.constant 640 : i32
    %mul3A_6 = arith.muli %arg1, %mul3A_5 : i32
    %mul3A_7 = arith.constant 640 : i32
    %mul3A_8 = arith.muli %arg1, %mul3A_7 : i32
    "tpu.region"() ({
      %run_scoped3A_48 = tpu.sem_alloc : memref<!tpu.dma_semaphore, #tpu.memory_space<semaphore_mem>>
      %dma_start3A_49 = arith.constant 0 : i32
      %dma_start3A_50 = tpu.memref_slice %arg11[%mul3A_8, %dma_start3A_49] : memref<10240x64xf32, #tpu.memory_space<vmem_shared>> -> memref<640x64xf32, #tpu.memory_space<vmem_shared>>
      %dma_start3A_51 = arith.constant 0 : i32
      %dma_start3A_52 = tpu.memref_slice %arg2[%mul3A_6, %dma_start3A_51] : memref<10240x64xf32, #tpu.memory_space<hbm>> -> memref<640x64xf32, #tpu.memory_space<hbm>>
      tpu.enqueue_dma source(%dma_start3A_52 : memref<640x64xf32, #tpu.memory_space<hbm>>) target(%dma_start3A_50 : memref<640x64xf32, #tpu.memory_space<vmem_shared>>) target_semaphore(%run_scoped3A_48 : memref<!tpu.dma_semaphore, #tpu.memory_space<semaphore_mem>>)
      %dma_wait3A_53 = arith.constant 0 : i32
      %dma_wait3A_54 = tpu.memref_slice %arg11[%mul3A_8, %dma_wait3A_53] : memref<10240x64xf32, #tpu.memory_space<vmem_shared>> -> memref<640x64xf32, #tpu.memory_space<vmem_shared>>
      %dma_wait3A_55 = arith.constant 0 : i32
      %dma_wait3A_56 = tpu.memref_slice %arg2[%mul3A_6, %dma_wait3A_55] : memref<10240x64xf32, #tpu.memory_space<hbm>> -> memref<640x64xf32, #tpu.memory_space<hbm>>
      tpu.wait_dma2 semaphore(%run_scoped3A_48 : memref<!tpu.dma_semaphore, #tpu.memory_space<semaphore_mem>>) src(%dma_wait3A_56 : memref<640x64xf32, #tpu.memory_space<hbm>>) dst(%dma_wait3A_54 : memref<640x64xf32, #tpu.memory_space<vmem_shared>>)
      tpu.yield
    }) : () -> ()
    %mul3A_9 = arith.constant 640 : i32
    %mul3A_10 = arith.muli %arg1, %mul3A_9 : i32
    %mul3A_11 = arith.constant 640 : i32
    %mul3A_12 = arith.muli %arg1, %mul3A_11 : i32
    "tpu.region"() ({
      %run_scoped3A_48 = tpu.sem_alloc : memref<!tpu.dma_semaphore, #tpu.memory_space<semaphore_mem>>
      %dma_start3A_49 = arith.constant 0 : i32
      %dma_start3A_50 = tpu.memref_slice %arg10[%mul3A_12, %dma_start3A_49] : memref<10240x64xf32, #tpu.memory_space<vmem_shared>> -> memref<640x64xf32, #tpu.memory_space<vmem_shared>>
      %dma_start3A_51 = arith.constant 0 : i32
      %dma_start3A_52 = tpu.memref_slice %arg2[%mul3A_10, %dma_start3A_51] : memref<10240x64xf32, #tpu.memory_space<hbm>> -> memref<640x64xf32, #tpu.memory_space<hbm>>
      tpu.enqueue_dma source(%dma_start3A_52 : memref<640x64xf32, #tpu.memory_space<hbm>>) target(%dma_start3A_50 : memref<640x64xf32, #tpu.memory_space<vmem_shared>>) target_semaphore(%run_scoped3A_48 : memref<!tpu.dma_semaphore, #tpu.memory_space<semaphore_mem>>)
      %dma_wait3A_53 = arith.constant 0 : i32
      %dma_wait3A_54 = tpu.memref_slice %arg10[%mul3A_12, %dma_wait3A_53] : memref<10240x64xf32, #tpu.memory_space<vmem_shared>> -> memref<640x64xf32, #tpu.memory_space<vmem_shared>>
      %dma_wait3A_55 = arith.constant 0 : i32
      %dma_wait3A_56 = tpu.memref_slice %arg2[%mul3A_10, %dma_wait3A_55] : memref<10240x64xf32, #tpu.memory_space<hbm>> -> memref<640x64xf32, #tpu.memory_space<hbm>>
      tpu.wait_dma2 semaphore(%run_scoped3A_48 : memref<!tpu.dma_semaphore, #tpu.memory_space<semaphore_mem>>) src(%dma_wait3A_56 : memref<640x64xf32, #tpu.memory_space<hbm>>) dst(%dma_wait3A_54 : memref<640x64xf32, #tpu.memory_space<vmem_shared>>)
      tpu.yield
    }) : () -> ()
    %barrier3A = arith.constant 0 : index
    tpu.barrier barrier_id(%barrier3A)
    %dma_start3A = arith.constant 0 : i32
    %dma_start3A_13 = arith.constant 0 : i32
    %dma_start3A_14 = tpu.memref_slice %arg6[%dma_start3A, %dma_start3A_13] : memref<80x128xi32, #tpu.memory_space<vmem>> -> memref<1x128xi32, #tpu.memory_space<vmem>>
    %dma_start3A_15 = tpu.memref_squeeze %dma_start3A_14 : memref<1x128xi32, #tpu.memory_space<vmem>> -> memref<128xi32, #tpu.memory_space<vmem>>
    %dma_start3A_16 = arith.constant 0 : i32
    %dma_start3A_17 = arith.constant 0 : i32
    %dma_start3A_18 = tpu.memref_slice %arg11[%dma_start3A_16, %dma_start3A_17] : memref<10240x64xf32, #tpu.memory_space<vmem_shared>> -> memref<10240x64xf32, #tpu.memory_space<vmem_shared>>
    tpu.enqueue_indirect_dma source(%dma_start3A_18 : memref<10240x64xf32, #tpu.memory_space<vmem_shared>>) target(%arg8 : memref<128x64xf32, #tpu.memory_space<vmem>>) offsets(%dma_start3A_15 : memref<128xi32, #tpu.memory_space<vmem>>) semaphore(%arg12 : memref<!tpu.dma_semaphore, #tpu.memory_space<semaphore_mem>>)
    %dma_start3A_19 = arith.constant 1 : i32
    %dma_start3A_20 = arith.constant 0 : i32
    %dma_start3A_21 = tpu.memref_slice %arg6[%dma_start3A_19, %dma_start3A_20] : memref<80x128xi32, #tpu.memory_space<vmem>> -> memref<1x128xi32, #tpu.memory_space<vmem>>
    %dma_start3A_22 = tpu.memref_squeeze %dma_start3A_21 : memref<1x128xi32, #tpu.memory_space<vmem>> -> memref<128xi32, #tpu.memory_space<vmem>>
    %dma_start3A_23 = arith.constant 0 : i32
    %dma_start3A_24 = arith.constant 0 : i32
    %dma_start3A_25 = tpu.memref_slice %arg11[%dma_start3A_23, %dma_start3A_24] : memref<10240x64xf32, #tpu.memory_space<vmem_shared>> -> memref<10240x64xf32, #tpu.memory_space<vmem_shared>>
    tpu.enqueue_indirect_dma source(%dma_start3A_25 : memref<10240x64xf32, #tpu.memory_space<vmem_shared>>) target(%arg9 : memref<128x64xf32, #tpu.memory_space<vmem>>) offsets(%dma_start3A_22 : memref<128xi32, #tpu.memory_space<vmem>>) semaphore(%arg13 : memref<!tpu.dma_semaphore, #tpu.memory_space<semaphore_mem>>)
    %scan3A = arith.constant 0 : i32
    %scan3A_26 = arith.constant 0 : i32
    %scan3A_27 = arith.constant 39 : i32
    %scan3A_28 = arith.addi %scan3A_26, %scan3A_27 : i32
    %scan3A_29 = arith.constant 1 : i32
    scf.for %scan3A_48 = %scan3A_26 to %scan3A_28 step %scan3A_29  : i32 {
      %mul3A_49 = arith.constant 2 : i32
      %mul3A_50 = arith.muli %mul3A_49, %scan3A_48 : i32
      %dma_wait3A_51 = arith.constant 0 : i32
      %dma_wait3A_52 = arith.constant 0 : i32
      %dma_wait3A_53 = tpu.memref_slice %arg11[%dma_wait3A_51, %dma_wait3A_52] : memref<10240x64xf32, #tpu.memory_space<vmem_shared>> -> memref<128x64xf32, #tpu.memory_space<vmem_shared>>
      %dma_wait3A_54 = arith.constant 0 : i32
      %dma_wait3A_55 = arith.constant 0 : i32
      %dma_wait3A_56 = tpu.memref_slice %arg11[%dma_wait3A_54, %dma_wait3A_55] : memref<10240x64xf32, #tpu.memory_space<vmem_shared>> -> memref<128x64xf32, #tpu.memory_space<vmem_shared>>
      tpu.wait_dma2 semaphore(%arg12 : memref<!tpu.dma_semaphore, #tpu.memory_space<semaphore_mem>>) src(%dma_wait3A_56 : memref<128x64xf32, #tpu.memory_space<vmem_shared>>) dst(%arg8 : memref<128x64xf32, #tpu.memory_space<vmem>>)
      "tpu.region"() ({
        %run_scoped3A_81 = tpu.sem_alloc : memref<!tpu.dma_semaphore, #tpu.memory_space<semaphore_mem>>
        %dma_start3A_82 = arith.constant 0 : i32
        %dma_start3A_83 = tpu.memref_slice %arg7[%mul3A_50, %dma_start3A_82] : memref<80x128xi32, #tpu.memory_space<vmem>> -> memref<1x128xi32, #tpu.memory_space<vmem>>
        %dma_start3A_84 = tpu.memref_squeeze %dma_start3A_83 : memref<1x128xi32, #tpu.memory_space<vmem>> -> memref<128xi32, #tpu.memory_space<vmem>>
        %dma_start3A_85 = arith.constant 0 : i32
        %dma_start3A_86 = arith.constant 0 : i32
        %dma_start3A_87 = tpu.memref_slice %arg10[%dma_start3A_85, %dma_start3A_86] : memref<10240x64xf32, #tpu.memory_space<vmem_shared>> -> memref<10240x64xf32, #tpu.memory_space<vmem_shared>>
        tpu.enqueue_indirect_dma source(%arg8 : memref<128x64xf32, #tpu.memory_space<vmem>>) target(%dma_start3A_87 : memref<10240x64xf32, #tpu.memory_space<vmem_shared>>) offsets(%dma_start3A_84 : memref<128xi32, #tpu.memory_space<vmem>>) semaphore(%run_scoped3A_81 : memref<!tpu.dma_semaphore, #tpu.memory_space<semaphore_mem>>) {add = true}
        %dma_wait3A_88 = arith.constant 0 : i32
        %dma_wait3A_89 = tpu.memref_slice %arg7[%mul3A_50, %dma_wait3A_88] : memref<80x128xi32, #tpu.memory_space<vmem>> -> memref<1x128xi32, #tpu.memory_space<vmem>>
        %dma_wait3A_90 = tpu.memref_squeeze %dma_wait3A_89 : memref<1x128xi32, #tpu.memory_space<vmem>> -> memref<128xi32, #tpu.memory_space<vmem>>
        %dma_wait3A_91 = arith.constant 0 : i32
        %dma_wait3A_92 = arith.constant 0 : i32
        %dma_wait3A_93 = tpu.memref_slice %arg10[%dma_wait3A_91, %dma_wait3A_92] : memref<10240x64xf32, #tpu.memory_space<vmem_shared>> -> memref<10240x64xf32, #tpu.memory_space<vmem_shared>>
        tpu.wait_indirect_dma semaphore(%run_scoped3A_81 : memref<!tpu.dma_semaphore, #tpu.memory_space<semaphore_mem>>) src(%arg8 : memref<128x64xf32, #tpu.memory_space<vmem>>) dst(%dma_wait3A_93 : memref<10240x64xf32, #tpu.memory_space<vmem_shared>>)
        tpu.yield
      }) : () -> ()
      %add3A_57 = arith.constant 2 : i32
      %add3A_58 = arith.addi %mul3A_50, %add3A_57 : i32
      %dma_start3A_59 = arith.constant 0 : i32
      %dma_start3A_60 = tpu.memref_slice %arg6[%add3A_58, %dma_start3A_59] : memref<80x128xi32, #tpu.memory_space<vmem>> -> memref<1x128xi32, #tpu.memory_space<vmem>>
      %dma_start3A_61 = tpu.memref_squeeze %dma_start3A_60 : memref<1x128xi32, #tpu.memory_space<vmem>> -> memref<128xi32, #tpu.memory_space<vmem>>
      %dma_start3A_62 = arith.constant 0 : i32
      %dma_start3A_63 = arith.constant 0 : i32
      %dma_start3A_64 = tpu.memref_slice %arg11[%dma_start3A_62, %dma_start3A_63] : memref<10240x64xf32, #tpu.memory_space<vmem_shared>> -> memref<10240x64xf32, #tpu.memory_space<vmem_shared>>
      tpu.enqueue_indirect_dma source(%dma_start3A_64 : memref<10240x64xf32, #tpu.memory_space<vmem_shared>>) target(%arg8 : memref<128x64xf32, #tpu.memory_space<vmem>>) offsets(%dma_start3A_61 : memref<128xi32, #tpu.memory_space<vmem>>) semaphore(%arg12 : memref<!tpu.dma_semaphore, #tpu.memory_space<semaphore_mem>>)
      %dma_wait3A_65 = arith.constant 0 : i32
      %dma_wait3A_66 = arith.constant 0 : i32
      %dma_wait3A_67 = tpu.memref_slice %arg11[%dma_wait3A_65, %dma_wait3A_66] : memref<10240x64xf32, #tpu.memory_space<vmem_shared>> -> memref<128x64xf32, #tpu.memory_space<vmem_shared>>
      %dma_wait3A_68 = arith.constant 0 : i32
      %dma_wait3A_69 = arith.constant 0 : i32
      %dma_wait3A_70 = tpu.memref_slice %arg11[%dma_wait3A_68, %dma_wait3A_69] : memref<10240x64xf32, #tpu.memory_space<vmem_shared>> -> memref<128x64xf32, #tpu.memory_space<vmem_shared>>
      tpu.wait_dma2 semaphore(%arg13 : memref<!tpu.dma_semaphore, #tpu.memory_space<semaphore_mem>>) src(%dma_wait3A_70 : memref<128x64xf32, #tpu.memory_space<vmem_shared>>) dst(%arg9 : memref<128x64xf32, #tpu.memory_space<vmem>>)
      %add3A_71 = arith.constant 1 : i32
      %add3A_72 = arith.addi %mul3A_50, %add3A_71 : i32
      "tpu.region"() ({
        %run_scoped3A_81 = tpu.sem_alloc : memref<!tpu.dma_semaphore, #tpu.memory_space<semaphore_mem>>
        %dma_start3A_82 = arith.constant 0 : i32
        %dma_start3A_83 = tpu.memref_slice %arg7[%add3A_72, %dma_start3A_82] : memref<80x128xi32, #tpu.memory_space<vmem>> -> memref<1x128xi32, #tpu.memory_space<vmem>>
        %dma_start3A_84 = tpu.memref_squeeze %dma_start3A_83 : memref<1x128xi32, #tpu.memory_space<vmem>> -> memref<128xi32, #tpu.memory_space<vmem>>
        %dma_start3A_85 = arith.constant 0 : i32
        %dma_start3A_86 = arith.constant 0 : i32
        %dma_start3A_87 = tpu.memref_slice %arg10[%dma_start3A_85, %dma_start3A_86] : memref<10240x64xf32, #tpu.memory_space<vmem_shared>> -> memref<10240x64xf32, #tpu.memory_space<vmem_shared>>
        tpu.enqueue_indirect_dma source(%arg9 : memref<128x64xf32, #tpu.memory_space<vmem>>) target(%dma_start3A_87 : memref<10240x64xf32, #tpu.memory_space<vmem_shared>>) offsets(%dma_start3A_84 : memref<128xi32, #tpu.memory_space<vmem>>) semaphore(%run_scoped3A_81 : memref<!tpu.dma_semaphore, #tpu.memory_space<semaphore_mem>>) {add = true}
        %dma_wait3A_88 = arith.constant 0 : i32
        %dma_wait3A_89 = tpu.memref_slice %arg7[%add3A_72, %dma_wait3A_88] : memref<80x128xi32, #tpu.memory_space<vmem>> -> memref<1x128xi32, #tpu.memory_space<vmem>>
        %dma_wait3A_90 = tpu.memref_squeeze %dma_wait3A_89 : memref<1x128xi32, #tpu.memory_space<vmem>> -> memref<128xi32, #tpu.memory_space<vmem>>
        %dma_wait3A_91 = arith.constant 0 : i32
        %dma_wait3A_92 = arith.constant 0 : i32
        %dma_wait3A_93 = tpu.memref_slice %arg10[%dma_wait3A_91, %dma_wait3A_92] : memref<10240x64xf32, #tpu.memory_space<vmem_shared>> -> memref<10240x64xf32, #tpu.memory_space<vmem_shared>>
        tpu.wait_indirect_dma semaphore(%run_scoped3A_81 : memref<!tpu.dma_semaphore, #tpu.memory_space<semaphore_mem>>) src(%arg9 : memref<128x64xf32, #tpu.memory_space<vmem>>) dst(%dma_wait3A_93 : memref<10240x64xf32, #tpu.memory_space<vmem_shared>>)
        tpu.yield
      }) : () -> ()
      %add3A_73 = arith.constant 3 : i32
      %add3A_74 = arith.addi %mul3A_50, %add3A_73 : i32
      %dma_start3A_75 = arith.constant 0 : i32
      %dma_start3A_76 = tpu.memref_slice %arg6[%add3A_74, %dma_start3A_75] : memref<80x128xi32, #tpu.memory_space<vmem>> -> memref<1x128xi32, #tpu.memory_space<vmem>>
      %dma_start3A_77 = tpu.memref_squeeze %dma_start3A_76 : memref<1x128xi32, #tpu.memory_space<vmem>> -> memref<128xi32, #tpu.memory_space<vmem>>
      %dma_start3A_78 = arith.constant 0 : i32
      %dma_start3A_79 = arith.constant 0 : i32
      %dma_start3A_80 = tpu.memref_slice %arg11[%dma_start3A_78, %dma_start3A_79] : memref<10240x64xf32, #tpu.memory_space<vmem_shared>> -> memref<10240x64xf32, #tpu.memory_space<vmem_shared>>
      tpu.enqueue_indirect_dma source(%dma_start3A_80 : memref<10240x64xf32, #tpu.memory_space<vmem_shared>>) target(%arg9 : memref<128x64xf32, #tpu.memory_space<vmem>>) offsets(%dma_start3A_77 : memref<128xi32, #tpu.memory_space<vmem>>) semaphore(%arg13 : memref<!tpu.dma_semaphore, #tpu.memory_space<semaphore_mem>>)
    }
    %scan3A_30 = arith.constant 39 : i32
    %dma_wait3A = arith.constant 0 : i32
    %dma_wait3A_31 = arith.constant 0 : i32
    %dma_wait3A_32 = tpu.memref_slice %arg11[%dma_wait3A, %dma_wait3A_31] : memref<10240x64xf32, #tpu.memory_space<vmem_shared>> -> memref<128x64xf32, #tpu.memory_space<vmem_shared>>
    %dma_wait3A_33 = arith.constant 0 : i32
    %dma_wait3A_34 = arith.constant 0 : i32
    %dma_wait3A_35 = tpu.memref_slice %arg11[%dma_wait3A_33, %dma_wait3A_34] : memref<10240x64xf32, #tpu.memory_space<vmem_shared>> -> memref<128x64xf32, #tpu.memory_space<vmem_shared>>
    tpu.wait_dma2 semaphore(%arg12 : memref<!tpu.dma_semaphore, #tpu.memory_space<semaphore_mem>>) src(%dma_wait3A_35 : memref<128x64xf32, #tpu.memory_space<vmem_shared>>) dst(%arg8 : memref<128x64xf32, #tpu.memory_space<vmem>>)
    %run_scoped3A = arith.constant 78 : i32
    "tpu.region"() ({
      %run_scoped3A_48 = tpu.sem_alloc : memref<!tpu.dma_semaphore, #tpu.memory_space<semaphore_mem>>
      %dma_start3A_49 = arith.constant 0 : i32
      %dma_start3A_50 = tpu.memref_slice %arg7[%run_scoped3A, %dma_start3A_49] : memref<80x128xi32, #tpu.memory_space<vmem>> -> memref<1x128xi32, #tpu.memory_space<vmem>>
      %dma_start3A_51 = tpu.memref_squeeze %dma_start3A_50 : memref<1x128xi32, #tpu.memory_space<vmem>> -> memref<128xi32, #tpu.memory_space<vmem>>
      %dma_start3A_52 = arith.constant 0 : i32
      %dma_start3A_53 = arith.constant 0 : i32
      %dma_start3A_54 = tpu.memref_slice %arg10[%dma_start3A_52, %dma_start3A_53] : memref<10240x64xf32, #tpu.memory_space<vmem_shared>> -> memref<10240x64xf32, #tpu.memory_space<vmem_shared>>
      tpu.enqueue_indirect_dma source(%arg8 : memref<128x64xf32, #tpu.memory_space<vmem>>) target(%dma_start3A_54 : memref<10240x64xf32, #tpu.memory_space<vmem_shared>>) offsets(%dma_start3A_51 : memref<128xi32, #tpu.memory_space<vmem>>) semaphore(%run_scoped3A_48 : memref<!tpu.dma_semaphore, #tpu.memory_space<semaphore_mem>>) {add = true}
      %dma_wait3A_55 = arith.constant 0 : i32
      %dma_wait3A_56 = tpu.memref_slice %arg7[%run_scoped3A, %dma_wait3A_55] : memref<80x128xi32, #tpu.memory_space<vmem>> -> memref<1x128xi32, #tpu.memory_space<vmem>>
      %dma_wait3A_57 = tpu.memref_squeeze %dma_wait3A_56 : memref<1x128xi32, #tpu.memory_space<vmem>> -> memref<128xi32, #tpu.memory_space<vmem>>
      %dma_wait3A_58 = arith.constant 0 : i32
      %dma_wait3A_59 = arith.constant 0 : i32
      %dma_wait3A_60 = tpu.memref_slice %arg10[%dma_wait3A_58, %dma_wait3A_59] : memref<10240x64xf32, #tpu.memory_space<vmem_shared>> -> memref<10240x64xf32, #tpu.memory_space<vmem_shared>>
      tpu.wait_indirect_dma semaphore(%run_scoped3A_48 : memref<!tpu.dma_semaphore, #tpu.memory_space<semaphore_mem>>) src(%arg8 : memref<128x64xf32, #tpu.memory_space<vmem>>) dst(%dma_wait3A_60 : memref<10240x64xf32, #tpu.memory_space<vmem_shared>>)
      tpu.yield
    }) : () -> ()
    %dma_wait3A_36 = arith.constant 0 : i32
    %dma_wait3A_37 = arith.constant 0 : i32
    %dma_wait3A_38 = tpu.memref_slice %arg11[%dma_wait3A_36, %dma_wait3A_37] : memref<10240x64xf32, #tpu.memory_space<vmem_shared>> -> memref<128x64xf32, #tpu.memory_space<vmem_shared>>
    %dma_wait3A_39 = arith.constant 0 : i32
    %dma_wait3A_40 = arith.constant 0 : i32
    %dma_wait3A_41 = tpu.memref_slice %arg11[%dma_wait3A_39, %dma_wait3A_40] : memref<10240x64xf32, #tpu.memory_space<vmem_shared>> -> memref<128x64xf32, #tpu.memory_space<vmem_shared>>
    tpu.wait_dma2 semaphore(%arg13 : memref<!tpu.dma_semaphore, #tpu.memory_space<semaphore_mem>>) src(%dma_wait3A_41 : memref<128x64xf32, #tpu.memory_space<vmem_shared>>) dst(%arg9 : memref<128x64xf32, #tpu.memory_space<vmem>>)
    %run_scoped3A_42 = arith.constant 79 : i32
    "tpu.region"() ({
      %run_scoped3A_48 = tpu.sem_alloc : memref<!tpu.dma_semaphore, #tpu.memory_space<semaphore_mem>>
      %dma_start3A_49 = arith.constant 0 : i32
      %dma_start3A_50 = tpu.memref_slice %arg7[%run_scoped3A_42, %dma_start3A_49] : memref<80x128xi32, #tpu.memory_space<vmem>> -> memref<1x128xi32, #tpu.memory_space<vmem>>
      %dma_start3A_51 = tpu.memref_squeeze %dma_start3A_50 : memref<1x128xi32, #tpu.memory_space<vmem>> -> memref<128xi32, #tpu.memory_space<vmem>>
      %dma_start3A_52 = arith.constant 0 : i32
      %dma_start3A_53 = arith.constant 0 : i32
      %dma_start3A_54 = tpu.memref_slice %arg10[%dma_start3A_52, %dma_start3A_53] : memref<10240x64xf32, #tpu.memory_space<vmem_shared>> -> memref<10240x64xf32, #tpu.memory_space<vmem_shared>>
      tpu.enqueue_indirect_dma source(%arg9 : memref<128x64xf32, #tpu.memory_space<vmem>>) target(%dma_start3A_54 : memref<10240x64xf32, #tpu.memory_space<vmem_shared>>) offsets(%dma_start3A_51 : memref<128xi32, #tpu.memory_space<vmem>>) semaphore(%run_scoped3A_48 : memref<!tpu.dma_semaphore, #tpu.memory_space<semaphore_mem>>) {add = true}
      %dma_wait3A_55 = arith.constant 0 : i32
      %dma_wait3A_56 = tpu.memref_slice %arg7[%run_scoped3A_42, %dma_wait3A_55] : memref<80x128xi32, #tpu.memory_space<vmem>> -> memref<1x128xi32, #tpu.memory_space<vmem>>
      %dma_wait3A_57 = tpu.memref_squeeze %dma_wait3A_56 : memref<1x128xi32, #tpu.memory_space<vmem>> -> memref<128xi32, #tpu.memory_space<vmem>>
      %dma_wait3A_58 = arith.constant 0 : i32
      %dma_wait3A_59 = arith.constant 0 : i32
      %dma_wait3A_60 = tpu.memref_slice %arg10[%dma_wait3A_58, %dma_wait3A_59] : memref<10240x64xf32, #tpu.memory_space<vmem_shared>> -> memref<10240x64xf32, #tpu.memory_space<vmem_shared>>
      tpu.wait_indirect_dma semaphore(%run_scoped3A_48 : memref<!tpu.dma_semaphore, #tpu.memory_space<semaphore_mem>>) src(%arg9 : memref<128x64xf32, #tpu.memory_space<vmem>>) dst(%dma_wait3A_60 : memref<10240x64xf32, #tpu.memory_space<vmem_shared>>)
      tpu.yield
    }) : () -> ()
    %barrier3A_43 = arith.constant 0 : index
    tpu.barrier barrier_id(%barrier3A_43)
    %mul3A_44 = arith.constant 640 : i32
    %mul3A_45 = arith.muli %arg1, %mul3A_44 : i32
    %mul3A_46 = arith.constant 640 : i32
    %mul3A_47 = arith.muli %arg1, %mul3A_46 : i32
    "tpu.region"() ({
      %run_scoped3A_48 = tpu.sem_alloc : memref<!tpu.dma_semaphore, #tpu.memory_space<semaphore_mem>>
      %dma_start3A_49 = arith.constant 0 : i32
      %dma_start3A_50 = tpu.memref_slice %arg5[%arg0, %mul3A_47, %dma_start3A_49] : memref<2x10240x64xf32, #tpu.memory_space<hbm>> -> memref<1x640x64xf32, #tpu.memory_space<hbm>>
      %dma_start3A_51 = tpu.memref_squeeze %dma_start3A_50 : memref<1x640x64xf32, #tpu.memory_space<hbm>> -> memref<640x64xf32, #tpu.memory_space<hbm>>
      %dma_start3A_52 = arith.constant 0 : i32
      %dma_start3A_53 = tpu.memref_slice %arg10[%mul3A_45, %dma_start3A_52] : memref<10240x64xf32, #tpu.memory_space<vmem_shared>> -> memref<640x64xf32, #tpu.memory_space<vmem_shared>>
      tpu.enqueue_dma source(%dma_start3A_53 : memref<640x64xf32, #tpu.memory_space<vmem_shared>>) target(%dma_start3A_51 : memref<640x64xf32, #tpu.memory_space<hbm>>) target_semaphore(%run_scoped3A_48 : memref<!tpu.dma_semaphore, #tpu.memory_space<semaphore_mem>>)
      %dma_wait3A_54 = arith.constant 0 : i32
      %dma_wait3A_55 = tpu.memref_slice %arg5[%arg0, %mul3A_47, %dma_wait3A_54] : memref<2x10240x64xf32, #tpu.memory_space<hbm>> -> memref<1x640x64xf32, #tpu.memory_space<hbm>>
      %dma_wait3A_56 = tpu.memref_squeeze %dma_wait3A_55 : memref<1x640x64xf32, #tpu.memory_space<hbm>> -> memref<640x64xf32, #tpu.memory_space<hbm>>
      %dma_wait3A_57 = arith.constant 0 : i32
      %dma_wait3A_58 = tpu.memref_slice %arg10[%mul3A_45, %dma_wait3A_57] : memref<10240x64xf32, #tpu.memory_space<vmem_shared>> -> memref<640x64xf32, #tpu.memory_space<vmem_shared>>
      tpu.wait_dma2 semaphore(%run_scoped3A_48 : memref<!tpu.dma_semaphore, #tpu.memory_space<semaphore_mem>>) src(%dma_wait3A_58 : memref<640x64xf32, #tpu.memory_space<vmem_shared>>) dst(%dma_wait3A_56 : memref<640x64xf32, #tpu.memory_space<hbm>>)
      tpu.yield
    }) : () -> ()
    return
  }
}

#map = affine_map<(d0, d1) -> (0, 0)>
#map1 = affine_map<(d0, d1) -> (0, 0, 0, 0)>
module attributes {stable_mosaic.version = 14 : i64} {
  func.func @_deg_kernel(%arg0: i32, %arg1: i32, %arg2: memref<2560x128xi32, #tpu.memory_space<hbm>>, %arg3: memref<2560x128xi32, #tpu.memory_space<hbm>>, %arg4: memref<128x8xf32, #tpu.memory_space<hbm>>, %arg5: memref<10240x8xf32, #tpu.memory_space<hbm>>, %arg6: memref<2x2x10240x8xf32, #tpu.memory_space<hbm>>, %arg7: memref<80x128xi32, #tpu.memory_space<vmem>>, %arg8: memref<80x128xi32, #tpu.memory_space<vmem>>, %arg9: memref<128x8xf32, #tpu.memory_space<vmem>>, %arg10: memref<10240x8xf32, #tpu.memory_space<vmem_shared>>, %arg11: memref<10240x8xf32, #tpu.memory_space<vmem_shared>>) attributes {dimension_semantics = [#tpu.dimension_semantics<core_parallel>, #tpu.dimension_semantics<subcore_parallel>], iteration_bounds = array<i64: 2, 16>, scalar_prefetch = 0 : i64, scratch_operands = 5 : i64, tpu.core_type = #tpu.core_type<sc_vector_subcore>, window_params = [{transform_indices = #map}, {transform_indices = #map}, {transform_indices = #map}, {transform_indices = #map}, {transform_indices = #map1}]} {
    %mul3A = arith.constant 2 : i32
    %mul3A_0 = arith.muli %arg1, %mul3A : i32
    %add3A = arith.addi %mul3A_0, %arg0 : i32
    "tpu.region"() ({
      %run_scoped3A_28 = tpu.sem_alloc : memref<!tpu.dma_semaphore, #tpu.memory_space<semaphore_mem>>
      tpu.enqueue_dma source(%arg4 : memref<128x8xf32, #tpu.memory_space<hbm>>) target(%arg9 : memref<128x8xf32, #tpu.memory_space<vmem>>) target_semaphore(%run_scoped3A_28 : memref<!tpu.dma_semaphore, #tpu.memory_space<semaphore_mem>>)
      tpu.wait_dma2 semaphore(%run_scoped3A_28 : memref<!tpu.dma_semaphore, #tpu.memory_space<semaphore_mem>>) src(%arg4 : memref<128x8xf32, #tpu.memory_space<hbm>>) dst(%arg9 : memref<128x8xf32, #tpu.memory_space<vmem>>)
      tpu.yield
    }) : () -> ()
    %mul3A_1 = arith.constant 80 : i32
    %mul3A_2 = arith.muli %add3A, %mul3A_1 : i32
    "tpu.region"() ({
      %run_scoped3A_28 = tpu.sem_alloc : memref<!tpu.dma_semaphore, #tpu.memory_space<semaphore_mem>>
      %dma_start3A = arith.constant 0 : i32
      %dma_start3A_29 = tpu.memref_slice %arg2[%mul3A_2, %dma_start3A] : memref<2560x128xi32, #tpu.memory_space<hbm>> -> memref<80x128xi32, #tpu.memory_space<hbm>>
      %dma_start3A_30 = arith.constant 0 : i32
      %dma_start3A_31 = tpu.memref_slice %arg2[%mul3A_2, %dma_start3A_30] : memref<2560x128xi32, #tpu.memory_space<hbm>> -> memref<80x128xi32, #tpu.memory_space<hbm>>
      tpu.enqueue_dma source(%dma_start3A_31 : memref<80x128xi32, #tpu.memory_space<hbm>>) target(%arg7 : memref<80x128xi32, #tpu.memory_space<vmem>>) target_semaphore(%run_scoped3A_28 : memref<!tpu.dma_semaphore, #tpu.memory_space<semaphore_mem>>)
      %dma_wait3A = arith.constant 0 : i32
      %dma_wait3A_32 = tpu.memref_slice %arg2[%mul3A_2, %dma_wait3A] : memref<2560x128xi32, #tpu.memory_space<hbm>> -> memref<80x128xi32, #tpu.memory_space<hbm>>
      %dma_wait3A_33 = arith.constant 0 : i32
      %dma_wait3A_34 = tpu.memref_slice %arg2[%mul3A_2, %dma_wait3A_33] : memref<2560x128xi32, #tpu.memory_space<hbm>> -> memref<80x128xi32, #tpu.memory_space<hbm>>
      tpu.wait_dma2 semaphore(%run_scoped3A_28 : memref<!tpu.dma_semaphore, #tpu.memory_space<semaphore_mem>>) src(%dma_wait3A_34 : memref<80x128xi32, #tpu.memory_space<hbm>>) dst(%arg7 : memref<80x128xi32, #tpu.memory_space<vmem>>)
      tpu.yield
    }) : () -> ()
    %mul3A_3 = arith.constant 80 : i32
    %mul3A_4 = arith.muli %add3A, %mul3A_3 : i32
    "tpu.region"() ({
      %run_scoped3A_28 = tpu.sem_alloc : memref<!tpu.dma_semaphore, #tpu.memory_space<semaphore_mem>>
      %dma_start3A = arith.constant 0 : i32
      %dma_start3A_29 = tpu.memref_slice %arg3[%mul3A_4, %dma_start3A] : memref<2560x128xi32, #tpu.memory_space<hbm>> -> memref<80x128xi32, #tpu.memory_space<hbm>>
      %dma_start3A_30 = arith.constant 0 : i32
      %dma_start3A_31 = tpu.memref_slice %arg3[%mul3A_4, %dma_start3A_30] : memref<2560x128xi32, #tpu.memory_space<hbm>> -> memref<80x128xi32, #tpu.memory_space<hbm>>
      tpu.enqueue_dma source(%dma_start3A_31 : memref<80x128xi32, #tpu.memory_space<hbm>>) target(%arg8 : memref<80x128xi32, #tpu.memory_space<vmem>>) target_semaphore(%run_scoped3A_28 : memref<!tpu.dma_semaphore, #tpu.memory_space<semaphore_mem>>)
      %dma_wait3A = arith.constant 0 : i32
      %dma_wait3A_32 = tpu.memref_slice %arg3[%mul3A_4, %dma_wait3A] : memref<2560x128xi32, #tpu.memory_space<hbm>> -> memref<80x128xi32, #tpu.memory_space<hbm>>
      %dma_wait3A_33 = arith.constant 0 : i32
      %dma_wait3A_34 = tpu.memref_slice %arg3[%mul3A_4, %dma_wait3A_33] : memref<2560x128xi32, #tpu.memory_space<hbm>> -> memref<80x128xi32, #tpu.memory_space<hbm>>
      tpu.wait_dma2 semaphore(%run_scoped3A_28 : memref<!tpu.dma_semaphore, #tpu.memory_space<semaphore_mem>>) src(%dma_wait3A_34 : memref<80x128xi32, #tpu.memory_space<hbm>>) dst(%arg8 : memref<80x128xi32, #tpu.memory_space<vmem>>)
      tpu.yield
    }) : () -> ()
    %mul3A_5 = arith.constant 640 : i32
    %mul3A_6 = arith.muli %arg1, %mul3A_5 : i32
    %mul3A_7 = arith.constant 640 : i32
    %mul3A_8 = arith.muli %arg1, %mul3A_7 : i32
    "tpu.region"() ({
      %run_scoped3A_28 = tpu.sem_alloc : memref<!tpu.dma_semaphore, #tpu.memory_space<semaphore_mem>>
      %dma_start3A = arith.constant 0 : i32
      %dma_start3A_29 = tpu.memref_slice %arg10[%mul3A_8, %dma_start3A] : memref<10240x8xf32, #tpu.memory_space<vmem_shared>> -> memref<640x8xf32, #tpu.memory_space<vmem_shared>>
      %dma_start3A_30 = arith.constant 0 : i32
      %dma_start3A_31 = tpu.memref_slice %arg5[%mul3A_6, %dma_start3A_30] : memref<10240x8xf32, #tpu.memory_space<hbm>> -> memref<640x8xf32, #tpu.memory_space<hbm>>
      tpu.enqueue_dma source(%dma_start3A_31 : memref<640x8xf32, #tpu.memory_space<hbm>>) target(%dma_start3A_29 : memref<640x8xf32, #tpu.memory_space<vmem_shared>>) target_semaphore(%run_scoped3A_28 : memref<!tpu.dma_semaphore, #tpu.memory_space<semaphore_mem>>)
      %dma_wait3A = arith.constant 0 : i32
      %dma_wait3A_32 = tpu.memref_slice %arg10[%mul3A_8, %dma_wait3A] : memref<10240x8xf32, #tpu.memory_space<vmem_shared>> -> memref<640x8xf32, #tpu.memory_space<vmem_shared>>
      %dma_wait3A_33 = arith.constant 0 : i32
      %dma_wait3A_34 = tpu.memref_slice %arg5[%mul3A_6, %dma_wait3A_33] : memref<10240x8xf32, #tpu.memory_space<hbm>> -> memref<640x8xf32, #tpu.memory_space<hbm>>
      tpu.wait_dma2 semaphore(%run_scoped3A_28 : memref<!tpu.dma_semaphore, #tpu.memory_space<semaphore_mem>>) src(%dma_wait3A_34 : memref<640x8xf32, #tpu.memory_space<hbm>>) dst(%dma_wait3A_32 : memref<640x8xf32, #tpu.memory_space<vmem_shared>>)
      tpu.yield
    }) : () -> ()
    %mul3A_9 = arith.constant 640 : i32
    %mul3A_10 = arith.muli %arg1, %mul3A_9 : i32
    %mul3A_11 = arith.constant 640 : i32
    %mul3A_12 = arith.muli %arg1, %mul3A_11 : i32
    "tpu.region"() ({
      %run_scoped3A_28 = tpu.sem_alloc : memref<!tpu.dma_semaphore, #tpu.memory_space<semaphore_mem>>
      %dma_start3A = arith.constant 0 : i32
      %dma_start3A_29 = tpu.memref_slice %arg11[%mul3A_12, %dma_start3A] : memref<10240x8xf32, #tpu.memory_space<vmem_shared>> -> memref<640x8xf32, #tpu.memory_space<vmem_shared>>
      %dma_start3A_30 = arith.constant 0 : i32
      %dma_start3A_31 = tpu.memref_slice %arg5[%mul3A_10, %dma_start3A_30] : memref<10240x8xf32, #tpu.memory_space<hbm>> -> memref<640x8xf32, #tpu.memory_space<hbm>>
      tpu.enqueue_dma source(%dma_start3A_31 : memref<640x8xf32, #tpu.memory_space<hbm>>) target(%dma_start3A_29 : memref<640x8xf32, #tpu.memory_space<vmem_shared>>) target_semaphore(%run_scoped3A_28 : memref<!tpu.dma_semaphore, #tpu.memory_space<semaphore_mem>>)
      %dma_wait3A = arith.constant 0 : i32
      %dma_wait3A_32 = tpu.memref_slice %arg11[%mul3A_12, %dma_wait3A] : memref<10240x8xf32, #tpu.memory_space<vmem_shared>> -> memref<640x8xf32, #tpu.memory_space<vmem_shared>>
      %dma_wait3A_33 = arith.constant 0 : i32
      %dma_wait3A_34 = tpu.memref_slice %arg5[%mul3A_10, %dma_wait3A_33] : memref<10240x8xf32, #tpu.memory_space<hbm>> -> memref<640x8xf32, #tpu.memory_space<hbm>>
      tpu.wait_dma2 semaphore(%run_scoped3A_28 : memref<!tpu.dma_semaphore, #tpu.memory_space<semaphore_mem>>) src(%dma_wait3A_34 : memref<640x8xf32, #tpu.memory_space<hbm>>) dst(%dma_wait3A_32 : memref<640x8xf32, #tpu.memory_space<vmem_shared>>)
      tpu.yield
    }) : () -> ()
    %barrier3A = arith.constant 0 : index
    tpu.barrier barrier_id(%barrier3A)
    %scan3A = arith.constant 0 : i32
    %scan3A_13 = arith.constant 0 : i32
    %scan3A_14 = arith.constant 80 : i32
    %scan3A_15 = arith.addi %scan3A_13, %scan3A_14 : i32
    %scan3A_16 = arith.constant 1 : i32
    scf.for %scan3A_28 = %scan3A_13 to %scan3A_15 step %scan3A_16  : i32 {
      "tpu.region"() ({
        %run_scoped3A_29 = tpu.sem_alloc : memref<!tpu.dma_semaphore, #tpu.memory_space<semaphore_mem>>
        %dma_start3A = arith.constant 0 : i32
        %dma_start3A_30 = tpu.memref_slice %arg7[%scan3A_28, %dma_start3A] : memref<80x128xi32, #tpu.memory_space<vmem>> -> memref<1x128xi32, #tpu.memory_space<vmem>>
        %dma_start3A_31 = tpu.memref_squeeze %dma_start3A_30 : memref<1x128xi32, #tpu.memory_space<vmem>> -> memref<128xi32, #tpu.memory_space<vmem>>
        %dma_start3A_32 = arith.constant 0 : i32
        %dma_start3A_33 = arith.constant 0 : i32
        %dma_start3A_34 = tpu.memref_slice %arg10[%dma_start3A_32, %dma_start3A_33] : memref<10240x8xf32, #tpu.memory_space<vmem_shared>> -> memref<10240x8xf32, #tpu.memory_space<vmem_shared>>
        tpu.enqueue_indirect_dma source(%arg9 : memref<128x8xf32, #tpu.memory_space<vmem>>) target(%dma_start3A_34 : memref<10240x8xf32, #tpu.memory_space<vmem_shared>>) offsets(%dma_start3A_31 : memref<128xi32, #tpu.memory_space<vmem>>) semaphore(%run_scoped3A_29 : memref<!tpu.dma_semaphore, #tpu.memory_space<semaphore_mem>>) {add = true}
        %dma_wait3A = arith.constant 0 : i32
        %dma_wait3A_35 = tpu.memref_slice %arg7[%scan3A_28, %dma_wait3A] : memref<80x128xi32, #tpu.memory_space<vmem>> -> memref<1x128xi32, #tpu.memory_space<vmem>>
        %dma_wait3A_36 = tpu.memref_squeeze %dma_wait3A_35 : memref<1x128xi32, #tpu.memory_space<vmem>> -> memref<128xi32, #tpu.memory_space<vmem>>
        %dma_wait3A_37 = arith.constant 0 : i32
        %dma_wait3A_38 = arith.constant 0 : i32
        %dma_wait3A_39 = tpu.memref_slice %arg10[%dma_wait3A_37, %dma_wait3A_38] : memref<10240x8xf32, #tpu.memory_space<vmem_shared>> -> memref<10240x8xf32, #tpu.memory_space<vmem_shared>>
        tpu.wait_indirect_dma semaphore(%run_scoped3A_29 : memref<!tpu.dma_semaphore, #tpu.memory_space<semaphore_mem>>) src(%arg9 : memref<128x8xf32, #tpu.memory_space<vmem>>) dst(%dma_wait3A_39 : memref<10240x8xf32, #tpu.memory_space<vmem_shared>>)
        tpu.yield
      }) : () -> ()
      "tpu.region"() ({
        %run_scoped3A_29 = tpu.sem_alloc : memref<!tpu.dma_semaphore, #tpu.memory_space<semaphore_mem>>
        %dma_start3A = arith.constant 0 : i32
        %dma_start3A_30 = tpu.memref_slice %arg8[%scan3A_28, %dma_start3A] : memref<80x128xi32, #tpu.memory_space<vmem>> -> memref<1x128xi32, #tpu.memory_space<vmem>>
        %dma_start3A_31 = tpu.memref_squeeze %dma_start3A_30 : memref<1x128xi32, #tpu.memory_space<vmem>> -> memref<128xi32, #tpu.memory_space<vmem>>
        %dma_start3A_32 = arith.constant 0 : i32
        %dma_start3A_33 = arith.constant 0 : i32
        %dma_start3A_34 = tpu.memref_slice %arg11[%dma_start3A_32, %dma_start3A_33] : memref<10240x8xf32, #tpu.memory_space<vmem_shared>> -> memref<10240x8xf32, #tpu.memory_space<vmem_shared>>
        tpu.enqueue_indirect_dma source(%arg9 : memref<128x8xf32, #tpu.memory_space<vmem>>) target(%dma_start3A_34 : memref<10240x8xf32, #tpu.memory_space<vmem_shared>>) offsets(%dma_start3A_31 : memref<128xi32, #tpu.memory_space<vmem>>) semaphore(%run_scoped3A_29 : memref<!tpu.dma_semaphore, #tpu.memory_space<semaphore_mem>>) {add = true}
        %dma_wait3A = arith.constant 0 : i32
        %dma_wait3A_35 = tpu.memref_slice %arg8[%scan3A_28, %dma_wait3A] : memref<80x128xi32, #tpu.memory_space<vmem>> -> memref<1x128xi32, #tpu.memory_space<vmem>>
        %dma_wait3A_36 = tpu.memref_squeeze %dma_wait3A_35 : memref<1x128xi32, #tpu.memory_space<vmem>> -> memref<128xi32, #tpu.memory_space<vmem>>
        %dma_wait3A_37 = arith.constant 0 : i32
        %dma_wait3A_38 = arith.constant 0 : i32
        %dma_wait3A_39 = tpu.memref_slice %arg11[%dma_wait3A_37, %dma_wait3A_38] : memref<10240x8xf32, #tpu.memory_space<vmem_shared>> -> memref<10240x8xf32, #tpu.memory_space<vmem_shared>>
        tpu.wait_indirect_dma semaphore(%run_scoped3A_29 : memref<!tpu.dma_semaphore, #tpu.memory_space<semaphore_mem>>) src(%arg9 : memref<128x8xf32, #tpu.memory_space<vmem>>) dst(%dma_wait3A_39 : memref<10240x8xf32, #tpu.memory_space<vmem_shared>>)
        tpu.yield
      }) : () -> ()
    }
    %scan3A_17 = arith.constant 80 : i32
    %barrier3A_18 = arith.constant 0 : index
    tpu.barrier barrier_id(%barrier3A_18)
    %mul3A_19 = arith.constant 640 : i32
    %mul3A_20 = arith.muli %arg1, %mul3A_19 : i32
    %mul3A_21 = arith.constant 640 : i32
    %mul3A_22 = arith.muli %arg1, %mul3A_21 : i32
    %run_scoped3A = arith.constant 0 : i32
    "tpu.region"() ({
      %run_scoped3A_28 = tpu.sem_alloc : memref<!tpu.dma_semaphore, #tpu.memory_space<semaphore_mem>>
      %dma_start3A = arith.constant 0 : i32
      %dma_start3A_29 = tpu.memref_slice %arg6[%arg0, %run_scoped3A, %mul3A_22, %dma_start3A] : memref<2x2x10240x8xf32, #tpu.memory_space<hbm>> -> memref<1x1x640x8xf32, #tpu.memory_space<hbm>>
      %dma_start3A_30 = tpu.memref_squeeze %dma_start3A_29 : memref<1x1x640x8xf32, #tpu.memory_space<hbm>> -> memref<640x8xf32, #tpu.memory_space<hbm>>
      %dma_start3A_31 = arith.constant 0 : i32
      %dma_start3A_32 = tpu.memref_slice %arg10[%mul3A_20, %dma_start3A_31] : memref<10240x8xf32, #tpu.memory_space<vmem_shared>> -> memref<640x8xf32, #tpu.memory_space<vmem_shared>>
      tpu.enqueue_dma source(%dma_start3A_32 : memref<640x8xf32, #tpu.memory_space<vmem_shared>>) target(%dma_start3A_30 : memref<640x8xf32, #tpu.memory_space<hbm>>) target_semaphore(%run_scoped3A_28 : memref<!tpu.dma_semaphore, #tpu.memory_space<semaphore_mem>>)
      %dma_wait3A = arith.constant 0 : i32
      %dma_wait3A_33 = tpu.memref_slice %arg6[%arg0, %run_scoped3A, %mul3A_22, %dma_wait3A] : memref<2x2x10240x8xf32, #tpu.memory_space<hbm>> -> memref<1x1x640x8xf32, #tpu.memory_space<hbm>>
      %dma_wait3A_34 = tpu.memref_squeeze %dma_wait3A_33 : memref<1x1x640x8xf32, #tpu.memory_space<hbm>> -> memref<640x8xf32, #tpu.memory_space<hbm>>
      %dma_wait3A_35 = arith.constant 0 : i32
      %dma_wait3A_36 = tpu.memref_slice %arg10[%mul3A_20, %dma_wait3A_35] : memref<10240x8xf32, #tpu.memory_space<vmem_shared>> -> memref<640x8xf32, #tpu.memory_space<vmem_shared>>
      tpu.wait_dma2 semaphore(%run_scoped3A_28 : memref<!tpu.dma_semaphore, #tpu.memory_space<semaphore_mem>>) src(%dma_wait3A_36 : memref<640x8xf32, #tpu.memory_space<vmem_shared>>) dst(%dma_wait3A_34 : memref<640x8xf32, #tpu.memory_space<hbm>>)
      tpu.yield
    }) : () -> ()
    %mul3A_23 = arith.constant 640 : i32
    %mul3A_24 = arith.muli %arg1, %mul3A_23 : i32
    %mul3A_25 = arith.constant 640 : i32
    %mul3A_26 = arith.muli %arg1, %mul3A_25 : i32
    %run_scoped3A_27 = arith.constant 1 : i32
    "tpu.region"() ({
      %run_scoped3A_28 = tpu.sem_alloc : memref<!tpu.dma_semaphore, #tpu.memory_space<semaphore_mem>>
      %dma_start3A = arith.constant 0 : i32
      %dma_start3A_29 = tpu.memref_slice %arg6[%arg0, %run_scoped3A_27, %mul3A_26, %dma_start3A] : memref<2x2x10240x8xf32, #tpu.memory_space<hbm>> -> memref<1x1x640x8xf32, #tpu.memory_space<hbm>>
      %dma_start3A_30 = tpu.memref_squeeze %dma_start3A_29 : memref<1x1x640x8xf32, #tpu.memory_space<hbm>> -> memref<640x8xf32, #tpu.memory_space<hbm>>
      %dma_start3A_31 = arith.constant 0 : i32
      %dma_start3A_32 = tpu.memref_slice %arg11[%mul3A_24, %dma_start3A_31] : memref<10240x8xf32, #tpu.memory_space<vmem_shared>> -> memref<640x8xf32, #tpu.memory_space<vmem_shared>>
      tpu.enqueue_dma source(%dma_start3A_32 : memref<640x8xf32, #tpu.memory_space<vmem_shared>>) target(%dma_start3A_30 : memref<640x8xf32, #tpu.memory_space<hbm>>) target_semaphore(%run_scoped3A_28 : memref<!tpu.dma_semaphore, #tpu.memory_space<semaphore_mem>>)
      %dma_wait3A = arith.constant 0 : i32
      %dma_wait3A_33 = tpu.memref_slice %arg6[%arg0, %run_scoped3A_27, %mul3A_26, %dma_wait3A] : memref<2x2x10240x8xf32, #tpu.memory_space<hbm>> -> memref<1x1x640x8xf32, #tpu.memory_space<hbm>>
      %dma_wait3A_34 = tpu.memref_squeeze %dma_wait3A_33 : memref<1x1x640x8xf32, #tpu.memory_space<hbm>> -> memref<640x8xf32, #tpu.memory_space<hbm>>
      %dma_wait3A_35 = arith.constant 0 : i32
      %dma_wait3A_36 = tpu.memref_slice %arg11[%mul3A_24, %dma_wait3A_35] : memref<10240x8xf32, #tpu.memory_space<vmem_shared>> -> memref<640x8xf32, #tpu.memory_space<vmem_shared>>
      tpu.wait_dma2 semaphore(%run_scoped3A_28 : memref<!tpu.dma_semaphore, #tpu.memory_space<semaphore_mem>>) src(%dma_wait3A_36 : memref<640x8xf32, #tpu.memory_space<vmem_shared>>) dst(%dma_wait3A_34 : memref<640x8xf32, #tpu.memory_space<hbm>>)
      tpu.yield
    }) : () -> ()
    return
  }
}

#map = affine_map<(d0, d1) -> (0, 0)>
#map1 = affine_map<(d0, d1) -> (0, 0, 0)>
module attributes {stable_mosaic.version = 14 : i64} {
  func.func @_agg(%arg0: i32, %arg1: i32, %arg2: memref<10240x32xf32, #tpu.memory_space<hbm>>, %arg3: memref<2560x128xi32, #tpu.memory_space<hbm>>, %arg4: memref<2560x128xi32, #tpu.memory_space<hbm>>, %arg5: memref<2x10240x32xf32, #tpu.memory_space<hbm>>, %arg6: memref<80x128xi32, #tpu.memory_space<vmem>>, %arg7: memref<80x128xi32, #tpu.memory_space<vmem>>, %arg8: memref<128x32xf32, #tpu.memory_space<vmem>>, %arg9: memref<128x32xf32, #tpu.memory_space<vmem>>, %arg10: memref<10240x32xf32, #tpu.memory_space<vmem_shared>>, %arg11: memref<10240x32xf32, #tpu.memory_space<vmem_shared>>, %arg12: memref<!tpu.dma_semaphore, #tpu.memory_space<semaphore_mem>>, %arg13: memref<!tpu.dma_semaphore, #tpu.memory_space<semaphore_mem>>) attributes {dimension_semantics = [#tpu.dimension_semantics<core_parallel>, #tpu.dimension_semantics<subcore_parallel>], iteration_bounds = array<i64: 2, 16>, scalar_prefetch = 0 : i64, scratch_operands = 8 : i64, tpu.core_type = #tpu.core_type<sc_vector_subcore>, window_params = [{transform_indices = #map}, {transform_indices = #map}, {transform_indices = #map}, {transform_indices = #map1}]} {
    %mul3A = arith.constant 2 : i32
    %mul3A_0 = arith.muli %arg1, %mul3A : i32
    %add3A = arith.addi %mul3A_0, %arg0 : i32
    %mul3A_1 = arith.constant 80 : i32
    %mul3A_2 = arith.muli %add3A, %mul3A_1 : i32
    "tpu.region"() ({
      %run_scoped3A_48 = tpu.sem_alloc : memref<!tpu.dma_semaphore, #tpu.memory_space<semaphore_mem>>
      %dma_start3A_49 = arith.constant 0 : i32
      %dma_start3A_50 = tpu.memref_slice %arg3[%mul3A_2, %dma_start3A_49] : memref<2560x128xi32, #tpu.memory_space<hbm>> -> memref<80x128xi32, #tpu.memory_space<hbm>>
      %dma_start3A_51 = arith.constant 0 : i32
      %dma_start3A_52 = tpu.memref_slice %arg3[%mul3A_2, %dma_start3A_51] : memref<2560x128xi32, #tpu.memory_space<hbm>> -> memref<80x128xi32, #tpu.memory_space<hbm>>
      tpu.enqueue_dma source(%dma_start3A_52 : memref<80x128xi32, #tpu.memory_space<hbm>>) target(%arg6 : memref<80x128xi32, #tpu.memory_space<vmem>>) target_semaphore(%run_scoped3A_48 : memref<!tpu.dma_semaphore, #tpu.memory_space<semaphore_mem>>)
      %dma_wait3A_53 = arith.constant 0 : i32
      %dma_wait3A_54 = tpu.memref_slice %arg3[%mul3A_2, %dma_wait3A_53] : memref<2560x128xi32, #tpu.memory_space<hbm>> -> memref<80x128xi32, #tpu.memory_space<hbm>>
      %dma_wait3A_55 = arith.constant 0 : i32
      %dma_wait3A_56 = tpu.memref_slice %arg3[%mul3A_2, %dma_wait3A_55] : memref<2560x128xi32, #tpu.memory_space<hbm>> -> memref<80x128xi32, #tpu.memory_space<hbm>>
      tpu.wait_dma2 semaphore(%run_scoped3A_48 : memref<!tpu.dma_semaphore, #tpu.memory_space<semaphore_mem>>) src(%dma_wait3A_56 : memref<80x128xi32, #tpu.memory_space<hbm>>) dst(%arg6 : memref<80x128xi32, #tpu.memory_space<vmem>>)
      tpu.yield
    }) : () -> ()
    %mul3A_3 = arith.constant 80 : i32
    %mul3A_4 = arith.muli %add3A, %mul3A_3 : i32
    "tpu.region"() ({
      %run_scoped3A_48 = tpu.sem_alloc : memref<!tpu.dma_semaphore, #tpu.memory_space<semaphore_mem>>
      %dma_start3A_49 = arith.constant 0 : i32
      %dma_start3A_50 = tpu.memref_slice %arg4[%mul3A_4, %dma_start3A_49] : memref<2560x128xi32, #tpu.memory_space<hbm>> -> memref<80x128xi32, #tpu.memory_space<hbm>>
      %dma_start3A_51 = arith.constant 0 : i32
      %dma_start3A_52 = tpu.memref_slice %arg4[%mul3A_4, %dma_start3A_51] : memref<2560x128xi32, #tpu.memory_space<hbm>> -> memref<80x128xi32, #tpu.memory_space<hbm>>
      tpu.enqueue_dma source(%dma_start3A_52 : memref<80x128xi32, #tpu.memory_space<hbm>>) target(%arg7 : memref<80x128xi32, #tpu.memory_space<vmem>>) target_semaphore(%run_scoped3A_48 : memref<!tpu.dma_semaphore, #tpu.memory_space<semaphore_mem>>)
      %dma_wait3A_53 = arith.constant 0 : i32
      %dma_wait3A_54 = tpu.memref_slice %arg4[%mul3A_4, %dma_wait3A_53] : memref<2560x128xi32, #tpu.memory_space<hbm>> -> memref<80x128xi32, #tpu.memory_space<hbm>>
      %dma_wait3A_55 = arith.constant 0 : i32
      %dma_wait3A_56 = tpu.memref_slice %arg4[%mul3A_4, %dma_wait3A_55] : memref<2560x128xi32, #tpu.memory_space<hbm>> -> memref<80x128xi32, #tpu.memory_space<hbm>>
      tpu.wait_dma2 semaphore(%run_scoped3A_48 : memref<!tpu.dma_semaphore, #tpu.memory_space<semaphore_mem>>) src(%dma_wait3A_56 : memref<80x128xi32, #tpu.memory_space<hbm>>) dst(%arg7 : memref<80x128xi32, #tpu.memory_space<vmem>>)
      tpu.yield
    }) : () -> ()
    %mul3A_5 = arith.constant 640 : i32
    %mul3A_6 = arith.muli %arg1, %mul3A_5 : i32
    %mul3A_7 = arith.constant 640 : i32
    %mul3A_8 = arith.muli %arg1, %mul3A_7 : i32
    "tpu.region"() ({
      %run_scoped3A_48 = tpu.sem_alloc : memref<!tpu.dma_semaphore, #tpu.memory_space<semaphore_mem>>
      %dma_start3A_49 = arith.constant 0 : i32
      %dma_start3A_50 = tpu.memref_slice %arg11[%mul3A_8, %dma_start3A_49] : memref<10240x32xf32, #tpu.memory_space<vmem_shared>> -> memref<640x32xf32, #tpu.memory_space<vmem_shared>>
      %dma_start3A_51 = arith.constant 0 : i32
      %dma_start3A_52 = tpu.memref_slice %arg2[%mul3A_6, %dma_start3A_51] : memref<10240x32xf32, #tpu.memory_space<hbm>> -> memref<640x32xf32, #tpu.memory_space<hbm>>
      tpu.enqueue_dma source(%dma_start3A_52 : memref<640x32xf32, #tpu.memory_space<hbm>>) target(%dma_start3A_50 : memref<640x32xf32, #tpu.memory_space<vmem_shared>>) target_semaphore(%run_scoped3A_48 : memref<!tpu.dma_semaphore, #tpu.memory_space<semaphore_mem>>)
      %dma_wait3A_53 = arith.constant 0 : i32
      %dma_wait3A_54 = tpu.memref_slice %arg11[%mul3A_8, %dma_wait3A_53] : memref<10240x32xf32, #tpu.memory_space<vmem_shared>> -> memref<640x32xf32, #tpu.memory_space<vmem_shared>>
      %dma_wait3A_55 = arith.constant 0 : i32
      %dma_wait3A_56 = tpu.memref_slice %arg2[%mul3A_6, %dma_wait3A_55] : memref<10240x32xf32, #tpu.memory_space<hbm>> -> memref<640x32xf32, #tpu.memory_space<hbm>>
      tpu.wait_dma2 semaphore(%run_scoped3A_48 : memref<!tpu.dma_semaphore, #tpu.memory_space<semaphore_mem>>) src(%dma_wait3A_56 : memref<640x32xf32, #tpu.memory_space<hbm>>) dst(%dma_wait3A_54 : memref<640x32xf32, #tpu.memory_space<vmem_shared>>)
      tpu.yield
    }) : () -> ()
    %mul3A_9 = arith.constant 640 : i32
    %mul3A_10 = arith.muli %arg1, %mul3A_9 : i32
    %mul3A_11 = arith.constant 640 : i32
    %mul3A_12 = arith.muli %arg1, %mul3A_11 : i32
    "tpu.region"() ({
      %run_scoped3A_48 = tpu.sem_alloc : memref<!tpu.dma_semaphore, #tpu.memory_space<semaphore_mem>>
      %dma_start3A_49 = arith.constant 0 : i32
      %dma_start3A_50 = tpu.memref_slice %arg10[%mul3A_12, %dma_start3A_49] : memref<10240x32xf32, #tpu.memory_space<vmem_shared>> -> memref<640x32xf32, #tpu.memory_space<vmem_shared>>
      %dma_start3A_51 = arith.constant 0 : i32
      %dma_start3A_52 = tpu.memref_slice %arg2[%mul3A_10, %dma_start3A_51] : memref<10240x32xf32, #tpu.memory_space<hbm>> -> memref<640x32xf32, #tpu.memory_space<hbm>>
      tpu.enqueue_dma source(%dma_start3A_52 : memref<640x32xf32, #tpu.memory_space<hbm>>) target(%dma_start3A_50 : memref<640x32xf32, #tpu.memory_space<vmem_shared>>) target_semaphore(%run_scoped3A_48 : memref<!tpu.dma_semaphore, #tpu.memory_space<semaphore_mem>>)
      %dma_wait3A_53 = arith.constant 0 : i32
      %dma_wait3A_54 = tpu.memref_slice %arg10[%mul3A_12, %dma_wait3A_53] : memref<10240x32xf32, #tpu.memory_space<vmem_shared>> -> memref<640x32xf32, #tpu.memory_space<vmem_shared>>
      %dma_wait3A_55 = arith.constant 0 : i32
      %dma_wait3A_56 = tpu.memref_slice %arg2[%mul3A_10, %dma_wait3A_55] : memref<10240x32xf32, #tpu.memory_space<hbm>> -> memref<640x32xf32, #tpu.memory_space<hbm>>
      tpu.wait_dma2 semaphore(%run_scoped3A_48 : memref<!tpu.dma_semaphore, #tpu.memory_space<semaphore_mem>>) src(%dma_wait3A_56 : memref<640x32xf32, #tpu.memory_space<hbm>>) dst(%dma_wait3A_54 : memref<640x32xf32, #tpu.memory_space<vmem_shared>>)
      tpu.yield
    }) : () -> ()
    %barrier3A = arith.constant 0 : index
    tpu.barrier barrier_id(%barrier3A)
    %dma_start3A = arith.constant 0 : i32
    %dma_start3A_13 = arith.constant 0 : i32
    %dma_start3A_14 = tpu.memref_slice %arg6[%dma_start3A, %dma_start3A_13] : memref<80x128xi32, #tpu.memory_space<vmem>> -> memref<1x128xi32, #tpu.memory_space<vmem>>
    %dma_start3A_15 = tpu.memref_squeeze %dma_start3A_14 : memref<1x128xi32, #tpu.memory_space<vmem>> -> memref<128xi32, #tpu.memory_space<vmem>>
    %dma_start3A_16 = arith.constant 0 : i32
    %dma_start3A_17 = arith.constant 0 : i32
    %dma_start3A_18 = tpu.memref_slice %arg11[%dma_start3A_16, %dma_start3A_17] : memref<10240x32xf32, #tpu.memory_space<vmem_shared>> -> memref<10240x32xf32, #tpu.memory_space<vmem_shared>>
    tpu.enqueue_indirect_dma source(%dma_start3A_18 : memref<10240x32xf32, #tpu.memory_space<vmem_shared>>) target(%arg8 : memref<128x32xf32, #tpu.memory_space<vmem>>) offsets(%dma_start3A_15 : memref<128xi32, #tpu.memory_space<vmem>>) semaphore(%arg12 : memref<!tpu.dma_semaphore, #tpu.memory_space<semaphore_mem>>)
    %dma_start3A_19 = arith.constant 1 : i32
    %dma_start3A_20 = arith.constant 0 : i32
    %dma_start3A_21 = tpu.memref_slice %arg6[%dma_start3A_19, %dma_start3A_20] : memref<80x128xi32, #tpu.memory_space<vmem>> -> memref<1x128xi32, #tpu.memory_space<vmem>>
    %dma_start3A_22 = tpu.memref_squeeze %dma_start3A_21 : memref<1x128xi32, #tpu.memory_space<vmem>> -> memref<128xi32, #tpu.memory_space<vmem>>
    %dma_start3A_23 = arith.constant 0 : i32
    %dma_start3A_24 = arith.constant 0 : i32
    %dma_start3A_25 = tpu.memref_slice %arg11[%dma_start3A_23, %dma_start3A_24] : memref<10240x32xf32, #tpu.memory_space<vmem_shared>> -> memref<10240x32xf32, #tpu.memory_space<vmem_shared>>
    tpu.enqueue_indirect_dma source(%dma_start3A_25 : memref<10240x32xf32, #tpu.memory_space<vmem_shared>>) target(%arg9 : memref<128x32xf32, #tpu.memory_space<vmem>>) offsets(%dma_start3A_22 : memref<128xi32, #tpu.memory_space<vmem>>) semaphore(%arg13 : memref<!tpu.dma_semaphore, #tpu.memory_space<semaphore_mem>>)
    %scan3A = arith.constant 0 : i32
    %scan3A_26 = arith.constant 0 : i32
    %scan3A_27 = arith.constant 39 : i32
    %scan3A_28 = arith.addi %scan3A_26, %scan3A_27 : i32
    %scan3A_29 = arith.constant 1 : i32
    scf.for %scan3A_48 = %scan3A_26 to %scan3A_28 step %scan3A_29  : i32 {
      %mul3A_49 = arith.constant 2 : i32
      %mul3A_50 = arith.muli %mul3A_49, %scan3A_48 : i32
      %dma_wait3A_51 = arith.constant 0 : i32
      %dma_wait3A_52 = arith.constant 0 : i32
      %dma_wait3A_53 = tpu.memref_slice %arg11[%dma_wait3A_51, %dma_wait3A_52] : memref<10240x32xf32, #tpu.memory_space<vmem_shared>> -> memref<128x32xf32, #tpu.memory_space<vmem_shared>>
      %dma_wait3A_54 = arith.constant 0 : i32
      %dma_wait3A_55 = arith.constant 0 : i32
      %dma_wait3A_56 = tpu.memref_slice %arg11[%dma_wait3A_54, %dma_wait3A_55] : memref<10240x32xf32, #tpu.memory_space<vmem_shared>> -> memref<128x32xf32, #tpu.memory_space<vmem_shared>>
      tpu.wait_dma2 semaphore(%arg12 : memref<!tpu.dma_semaphore, #tpu.memory_space<semaphore_mem>>) src(%dma_wait3A_56 : memref<128x32xf32, #tpu.memory_space<vmem_shared>>) dst(%arg8 : memref<128x32xf32, #tpu.memory_space<vmem>>)
      "tpu.region"() ({
        %run_scoped3A_81 = tpu.sem_alloc : memref<!tpu.dma_semaphore, #tpu.memory_space<semaphore_mem>>
        %dma_start3A_82 = arith.constant 0 : i32
        %dma_start3A_83 = tpu.memref_slice %arg7[%mul3A_50, %dma_start3A_82] : memref<80x128xi32, #tpu.memory_space<vmem>> -> memref<1x128xi32, #tpu.memory_space<vmem>>
        %dma_start3A_84 = tpu.memref_squeeze %dma_start3A_83 : memref<1x128xi32, #tpu.memory_space<vmem>> -> memref<128xi32, #tpu.memory_space<vmem>>
        %dma_start3A_85 = arith.constant 0 : i32
        %dma_start3A_86 = arith.constant 0 : i32
        %dma_start3A_87 = tpu.memref_slice %arg10[%dma_start3A_85, %dma_start3A_86] : memref<10240x32xf32, #tpu.memory_space<vmem_shared>> -> memref<10240x32xf32, #tpu.memory_space<vmem_shared>>
        tpu.enqueue_indirect_dma source(%arg8 : memref<128x32xf32, #tpu.memory_space<vmem>>) target(%dma_start3A_87 : memref<10240x32xf32, #tpu.memory_space<vmem_shared>>) offsets(%dma_start3A_84 : memref<128xi32, #tpu.memory_space<vmem>>) semaphore(%run_scoped3A_81 : memref<!tpu.dma_semaphore, #tpu.memory_space<semaphore_mem>>) {add = true}
        %dma_wait3A_88 = arith.constant 0 : i32
        %dma_wait3A_89 = tpu.memref_slice %arg7[%mul3A_50, %dma_wait3A_88] : memref<80x128xi32, #tpu.memory_space<vmem>> -> memref<1x128xi32, #tpu.memory_space<vmem>>
        %dma_wait3A_90 = tpu.memref_squeeze %dma_wait3A_89 : memref<1x128xi32, #tpu.memory_space<vmem>> -> memref<128xi32, #tpu.memory_space<vmem>>
        %dma_wait3A_91 = arith.constant 0 : i32
        %dma_wait3A_92 = arith.constant 0 : i32
        %dma_wait3A_93 = tpu.memref_slice %arg10[%dma_wait3A_91, %dma_wait3A_92] : memref<10240x32xf32, #tpu.memory_space<vmem_shared>> -> memref<10240x32xf32, #tpu.memory_space<vmem_shared>>
        tpu.wait_indirect_dma semaphore(%run_scoped3A_81 : memref<!tpu.dma_semaphore, #tpu.memory_space<semaphore_mem>>) src(%arg8 : memref<128x32xf32, #tpu.memory_space<vmem>>) dst(%dma_wait3A_93 : memref<10240x32xf32, #tpu.memory_space<vmem_shared>>)
        tpu.yield
      }) : () -> ()
      %add3A_57 = arith.constant 2 : i32
      %add3A_58 = arith.addi %mul3A_50, %add3A_57 : i32
      %dma_start3A_59 = arith.constant 0 : i32
      %dma_start3A_60 = tpu.memref_slice %arg6[%add3A_58, %dma_start3A_59] : memref<80x128xi32, #tpu.memory_space<vmem>> -> memref<1x128xi32, #tpu.memory_space<vmem>>
      %dma_start3A_61 = tpu.memref_squeeze %dma_start3A_60 : memref<1x128xi32, #tpu.memory_space<vmem>> -> memref<128xi32, #tpu.memory_space<vmem>>
      %dma_start3A_62 = arith.constant 0 : i32
      %dma_start3A_63 = arith.constant 0 : i32
      %dma_start3A_64 = tpu.memref_slice %arg11[%dma_start3A_62, %dma_start3A_63] : memref<10240x32xf32, #tpu.memory_space<vmem_shared>> -> memref<10240x32xf32, #tpu.memory_space<vmem_shared>>
      tpu.enqueue_indirect_dma source(%dma_start3A_64 : memref<10240x32xf32, #tpu.memory_space<vmem_shared>>) target(%arg8 : memref<128x32xf32, #tpu.memory_space<vmem>>) offsets(%dma_start3A_61 : memref<128xi32, #tpu.memory_space<vmem>>) semaphore(%arg12 : memref<!tpu.dma_semaphore, #tpu.memory_space<semaphore_mem>>)
      %dma_wait3A_65 = arith.constant 0 : i32
      %dma_wait3A_66 = arith.constant 0 : i32
      %dma_wait3A_67 = tpu.memref_slice %arg11[%dma_wait3A_65, %dma_wait3A_66] : memref<10240x32xf32, #tpu.memory_space<vmem_shared>> -> memref<128x32xf32, #tpu.memory_space<vmem_shared>>
      %dma_wait3A_68 = arith.constant 0 : i32
      %dma_wait3A_69 = arith.constant 0 : i32
      %dma_wait3A_70 = tpu.memref_slice %arg11[%dma_wait3A_68, %dma_wait3A_69] : memref<10240x32xf32, #tpu.memory_space<vmem_shared>> -> memref<128x32xf32, #tpu.memory_space<vmem_shared>>
      tpu.wait_dma2 semaphore(%arg13 : memref<!tpu.dma_semaphore, #tpu.memory_space<semaphore_mem>>) src(%dma_wait3A_70 : memref<128x32xf32, #tpu.memory_space<vmem_shared>>) dst(%arg9 : memref<128x32xf32, #tpu.memory_space<vmem>>)
      %add3A_71 = arith.constant 1 : i32
      %add3A_72 = arith.addi %mul3A_50, %add3A_71 : i32
      "tpu.region"() ({
        %run_scoped3A_81 = tpu.sem_alloc : memref<!tpu.dma_semaphore, #tpu.memory_space<semaphore_mem>>
        %dma_start3A_82 = arith.constant 0 : i32
        %dma_start3A_83 = tpu.memref_slice %arg7[%add3A_72, %dma_start3A_82] : memref<80x128xi32, #tpu.memory_space<vmem>> -> memref<1x128xi32, #tpu.memory_space<vmem>>
        %dma_start3A_84 = tpu.memref_squeeze %dma_start3A_83 : memref<1x128xi32, #tpu.memory_space<vmem>> -> memref<128xi32, #tpu.memory_space<vmem>>
        %dma_start3A_85 = arith.constant 0 : i32
        %dma_start3A_86 = arith.constant 0 : i32
        %dma_start3A_87 = tpu.memref_slice %arg10[%dma_start3A_85, %dma_start3A_86] : memref<10240x32xf32, #tpu.memory_space<vmem_shared>> -> memref<10240x32xf32, #tpu.memory_space<vmem_shared>>
        tpu.enqueue_indirect_dma source(%arg9 : memref<128x32xf32, #tpu.memory_space<vmem>>) target(%dma_start3A_87 : memref<10240x32xf32, #tpu.memory_space<vmem_shared>>) offsets(%dma_start3A_84 : memref<128xi32, #tpu.memory_space<vmem>>) semaphore(%run_scoped3A_81 : memref<!tpu.dma_semaphore, #tpu.memory_space<semaphore_mem>>) {add = true}
        %dma_wait3A_88 = arith.constant 0 : i32
        %dma_wait3A_89 = tpu.memref_slice %arg7[%add3A_72, %dma_wait3A_88] : memref<80x128xi32, #tpu.memory_space<vmem>> -> memref<1x128xi32, #tpu.memory_space<vmem>>
        %dma_wait3A_90 = tpu.memref_squeeze %dma_wait3A_89 : memref<1x128xi32, #tpu.memory_space<vmem>> -> memref<128xi32, #tpu.memory_space<vmem>>
        %dma_wait3A_91 = arith.constant 0 : i32
        %dma_wait3A_92 = arith.constant 0 : i32
        %dma_wait3A_93 = tpu.memref_slice %arg10[%dma_wait3A_91, %dma_wait3A_92] : memref<10240x32xf32, #tpu.memory_space<vmem_shared>> -> memref<10240x32xf32, #tpu.memory_space<vmem_shared>>
        tpu.wait_indirect_dma semaphore(%run_scoped3A_81 : memref<!tpu.dma_semaphore, #tpu.memory_space<semaphore_mem>>) src(%arg9 : memref<128x32xf32, #tpu.memory_space<vmem>>) dst(%dma_wait3A_93 : memref<10240x32xf32, #tpu.memory_space<vmem_shared>>)
        tpu.yield
      }) : () -> ()
      %add3A_73 = arith.constant 3 : i32
      %add3A_74 = arith.addi %mul3A_50, %add3A_73 : i32
      %dma_start3A_75 = arith.constant 0 : i32
      %dma_start3A_76 = tpu.memref_slice %arg6[%add3A_74, %dma_start3A_75] : memref<80x128xi32, #tpu.memory_space<vmem>> -> memref<1x128xi32, #tpu.memory_space<vmem>>
      %dma_start3A_77 = tpu.memref_squeeze %dma_start3A_76 : memref<1x128xi32, #tpu.memory_space<vmem>> -> memref<128xi32, #tpu.memory_space<vmem>>
      %dma_start3A_78 = arith.constant 0 : i32
      %dma_start3A_79 = arith.constant 0 : i32
      %dma_start3A_80 = tpu.memref_slice %arg11[%dma_start3A_78, %dma_start3A_79] : memref<10240x32xf32, #tpu.memory_space<vmem_shared>> -> memref<10240x32xf32, #tpu.memory_space<vmem_shared>>
      tpu.enqueue_indirect_dma source(%dma_start3A_80 : memref<10240x32xf32, #tpu.memory_space<vmem_shared>>) target(%arg9 : memref<128x32xf32, #tpu.memory_space<vmem>>) offsets(%dma_start3A_77 : memref<128xi32, #tpu.memory_space<vmem>>) semaphore(%arg13 : memref<!tpu.dma_semaphore, #tpu.memory_space<semaphore_mem>>)
    }
    %scan3A_30 = arith.constant 39 : i32
    %dma_wait3A = arith.constant 0 : i32
    %dma_wait3A_31 = arith.constant 0 : i32
    %dma_wait3A_32 = tpu.memref_slice %arg11[%dma_wait3A, %dma_wait3A_31] : memref<10240x32xf32, #tpu.memory_space<vmem_shared>> -> memref<128x32xf32, #tpu.memory_space<vmem_shared>>
    %dma_wait3A_33 = arith.constant 0 : i32
    %dma_wait3A_34 = arith.constant 0 : i32
    %dma_wait3A_35 = tpu.memref_slice %arg11[%dma_wait3A_33, %dma_wait3A_34] : memref<10240x32xf32, #tpu.memory_space<vmem_shared>> -> memref<128x32xf32, #tpu.memory_space<vmem_shared>>
    tpu.wait_dma2 semaphore(%arg12 : memref<!tpu.dma_semaphore, #tpu.memory_space<semaphore_mem>>) src(%dma_wait3A_35 : memref<128x32xf32, #tpu.memory_space<vmem_shared>>) dst(%arg8 : memref<128x32xf32, #tpu.memory_space<vmem>>)
    %run_scoped3A = arith.constant 78 : i32
    "tpu.region"() ({
      %run_scoped3A_48 = tpu.sem_alloc : memref<!tpu.dma_semaphore, #tpu.memory_space<semaphore_mem>>
      %dma_start3A_49 = arith.constant 0 : i32
      %dma_start3A_50 = tpu.memref_slice %arg7[%run_scoped3A, %dma_start3A_49] : memref<80x128xi32, #tpu.memory_space<vmem>> -> memref<1x128xi32, #tpu.memory_space<vmem>>
      %dma_start3A_51 = tpu.memref_squeeze %dma_start3A_50 : memref<1x128xi32, #tpu.memory_space<vmem>> -> memref<128xi32, #tpu.memory_space<vmem>>
      %dma_start3A_52 = arith.constant 0 : i32
      %dma_start3A_53 = arith.constant 0 : i32
      %dma_start3A_54 = tpu.memref_slice %arg10[%dma_start3A_52, %dma_start3A_53] : memref<10240x32xf32, #tpu.memory_space<vmem_shared>> -> memref<10240x32xf32, #tpu.memory_space<vmem_shared>>
      tpu.enqueue_indirect_dma source(%arg8 : memref<128x32xf32, #tpu.memory_space<vmem>>) target(%dma_start3A_54 : memref<10240x32xf32, #tpu.memory_space<vmem_shared>>) offsets(%dma_start3A_51 : memref<128xi32, #tpu.memory_space<vmem>>) semaphore(%run_scoped3A_48 : memref<!tpu.dma_semaphore, #tpu.memory_space<semaphore_mem>>) {add = true}
      %dma_wait3A_55 = arith.constant 0 : i32
      %dma_wait3A_56 = tpu.memref_slice %arg7[%run_scoped3A, %dma_wait3A_55] : memref<80x128xi32, #tpu.memory_space<vmem>> -> memref<1x128xi32, #tpu.memory_space<vmem>>
      %dma_wait3A_57 = tpu.memref_squeeze %dma_wait3A_56 : memref<1x128xi32, #tpu.memory_space<vmem>> -> memref<128xi32, #tpu.memory_space<vmem>>
      %dma_wait3A_58 = arith.constant 0 : i32
      %dma_wait3A_59 = arith.constant 0 : i32
      %dma_wait3A_60 = tpu.memref_slice %arg10[%dma_wait3A_58, %dma_wait3A_59] : memref<10240x32xf32, #tpu.memory_space<vmem_shared>> -> memref<10240x32xf32, #tpu.memory_space<vmem_shared>>
      tpu.wait_indirect_dma semaphore(%run_scoped3A_48 : memref<!tpu.dma_semaphore, #tpu.memory_space<semaphore_mem>>) src(%arg8 : memref<128x32xf32, #tpu.memory_space<vmem>>) dst(%dma_wait3A_60 : memref<10240x32xf32, #tpu.memory_space<vmem_shared>>)
      tpu.yield
    }) : () -> ()
    %dma_wait3A_36 = arith.constant 0 : i32
    %dma_wait3A_37 = arith.constant 0 : i32
    %dma_wait3A_38 = tpu.memref_slice %arg11[%dma_wait3A_36, %dma_wait3A_37] : memref<10240x32xf32, #tpu.memory_space<vmem_shared>> -> memref<128x32xf32, #tpu.memory_space<vmem_shared>>
    %dma_wait3A_39 = arith.constant 0 : i32
    %dma_wait3A_40 = arith.constant 0 : i32
    %dma_wait3A_41 = tpu.memref_slice %arg11[%dma_wait3A_39, %dma_wait3A_40] : memref<10240x32xf32, #tpu.memory_space<vmem_shared>> -> memref<128x32xf32, #tpu.memory_space<vmem_shared>>
    tpu.wait_dma2 semaphore(%arg13 : memref<!tpu.dma_semaphore, #tpu.memory_space<semaphore_mem>>) src(%dma_wait3A_41 : memref<128x32xf32, #tpu.memory_space<vmem_shared>>) dst(%arg9 : memref<128x32xf32, #tpu.memory_space<vmem>>)
    %run_scoped3A_42 = arith.constant 79 : i32
    "tpu.region"() ({
      %run_scoped3A_48 = tpu.sem_alloc : memref<!tpu.dma_semaphore, #tpu.memory_space<semaphore_mem>>
      %dma_start3A_49 = arith.constant 0 : i32
      %dma_start3A_50 = tpu.memref_slice %arg7[%run_scoped3A_42, %dma_start3A_49] : memref<80x128xi32, #tpu.memory_space<vmem>> -> memref<1x128xi32, #tpu.memory_space<vmem>>
      %dma_start3A_51 = tpu.memref_squeeze %dma_start3A_50 : memref<1x128xi32, #tpu.memory_space<vmem>> -> memref<128xi32, #tpu.memory_space<vmem>>
      %dma_start3A_52 = arith.constant 0 : i32
      %dma_start3A_53 = arith.constant 0 : i32
      %dma_start3A_54 = tpu.memref_slice %arg10[%dma_start3A_52, %dma_start3A_53] : memref<10240x32xf32, #tpu.memory_space<vmem_shared>> -> memref<10240x32xf32, #tpu.memory_space<vmem_shared>>
      tpu.enqueue_indirect_dma source(%arg9 : memref<128x32xf32, #tpu.memory_space<vmem>>) target(%dma_start3A_54 : memref<10240x32xf32, #tpu.memory_space<vmem_shared>>) offsets(%dma_start3A_51 : memref<128xi32, #tpu.memory_space<vmem>>) semaphore(%run_scoped3A_48 : memref<!tpu.dma_semaphore, #tpu.memory_space<semaphore_mem>>) {add = true}
      %dma_wait3A_55 = arith.constant 0 : i32
      %dma_wait3A_56 = tpu.memref_slice %arg7[%run_scoped3A_42, %dma_wait3A_55] : memref<80x128xi32, #tpu.memory_space<vmem>> -> memref<1x128xi32, #tpu.memory_space<vmem>>
      %dma_wait3A_57 = tpu.memref_squeeze %dma_wait3A_56 : memref<1x128xi32, #tpu.memory_space<vmem>> -> memref<128xi32, #tpu.memory_space<vmem>>
      %dma_wait3A_58 = arith.constant 0 : i32
      %dma_wait3A_59 = arith.constant 0 : i32
      %dma_wait3A_60 = tpu.memref_slice %arg10[%dma_wait3A_58, %dma_wait3A_59] : memref<10240x32xf32, #tpu.memory_space<vmem_shared>> -> memref<10240x32xf32, #tpu.memory_space<vmem_shared>>
      tpu.wait_indirect_dma semaphore(%run_scoped3A_48 : memref<!tpu.dma_semaphore, #tpu.memory_space<semaphore_mem>>) src(%arg9 : memref<128x32xf32, #tpu.memory_space<vmem>>) dst(%dma_wait3A_60 : memref<10240x32xf32, #tpu.memory_space<vmem_shared>>)
      tpu.yield
    }) : () -> ()
    %barrier3A_43 = arith.constant 0 : index
    tpu.barrier barrier_id(%barrier3A_43)
    %mul3A_44 = arith.constant 640 : i32
    %mul3A_45 = arith.muli %arg1, %mul3A_44 : i32
    %mul3A_46 = arith.constant 640 : i32
    %mul3A_47 = arith.muli %arg1, %mul3A_46 : i32
    "tpu.region"() ({
      %run_scoped3A_48 = tpu.sem_alloc : memref<!tpu.dma_semaphore, #tpu.memory_space<semaphore_mem>>
      %dma_start3A_49 = arith.constant 0 : i32
      %dma_start3A_50 = tpu.memref_slice %arg5[%arg0, %mul3A_47, %dma_start3A_49] : memref<2x10240x32xf32, #tpu.memory_space<hbm>> -> memref<1x640x32xf32, #tpu.memory_space<hbm>>
      %dma_start3A_51 = tpu.memref_squeeze %dma_start3A_50 : memref<1x640x32xf32, #tpu.memory_space<hbm>> -> memref<640x32xf32, #tpu.memory_space<hbm>>
      %dma_start3A_52 = arith.constant 0 : i32
      %dma_start3A_53 = tpu.memref_slice %arg10[%mul3A_45, %dma_start3A_52] : memref<10240x32xf32, #tpu.memory_space<vmem_shared>> -> memref<640x32xf32, #tpu.memory_space<vmem_shared>>
      tpu.enqueue_dma source(%dma_start3A_53 : memref<640x32xf32, #tpu.memory_space<vmem_shared>>) target(%dma_start3A_51 : memref<640x32xf32, #tpu.memory_space<hbm>>) target_semaphore(%run_scoped3A_48 : memref<!tpu.dma_semaphore, #tpu.memory_space<semaphore_mem>>)
      %dma_wait3A_54 = arith.constant 0 : i32
      %dma_wait3A_55 = tpu.memref_slice %arg5[%arg0, %mul3A_47, %dma_wait3A_54] : memref<2x10240x32xf32, #tpu.memory_space<hbm>> -> memref<1x640x32xf32, #tpu.memory_space<hbm>>
      %dma_wait3A_56 = tpu.memref_squeeze %dma_wait3A_55 : memref<1x640x32xf32, #tpu.memory_space<hbm>> -> memref<640x32xf32, #tpu.memory_space<hbm>>
      %dma_wait3A_57 = arith.constant 0 : i32
      %dma_wait3A_58 = tpu.memref_slice %arg10[%mul3A_45, %dma_wait3A_57] : memref<10240x32xf32, #tpu.memory_space<vmem_shared>> -> memref<640x32xf32, #tpu.memory_space<vmem_shared>>
      tpu.wait_dma2 semaphore(%run_scoped3A_48 : memref<!tpu.dma_semaphore, #tpu.memory_space<semaphore_mem>>) src(%dma_wait3A_58 : memref<640x32xf32, #tpu.memory_space<vmem_shared>>) dst(%dma_wait3A_56 : memref<640x32xf32, #tpu.memory_space<hbm>>)
      tpu.yield
    }) : () -> ()
    return
  }
}

module attributes {stable_mosaic.version = 14 : i64} {
  func.func @_mm1_body(%arg0: i32, %arg1: memref<1024x128xf32, #tpu.memory_space<vmem>>, %arg2: memref<128x64xf32, #tpu.memory_space<vmem>>, %arg3: memref<2x2x1024x8xf32, #tpu.memory_space<vmem>>, %arg4: memref<1024x64xf32, #tpu.memory_space<vmem>>) attributes {dimension_semantics = [#tpu.dimension_semantics<arbitrary>], iteration_bounds = array<i64: 10>, scalar_prefetch = 0 : i64, scratch_operands = 0 : i64, tpu.core_type = #tpu.core_type<tc>, window_params = [{transform_indices = @transform_0, window_bounds = array<i64: 1024, 128>}, {pipeline_mode = #tpu.pipeline_mode<synchronous>, transform_indices = @transform_1, window_bounds = array<i64: 128, 64>}, {transform_indices = @transform_2, window_bounds = array<i64: 2, 2, 1024, 8>}, {transform_indices = @transform_3, window_bounds = array<i64: 1024, 64>}]} {
    %get3A = arith.constant 0 : index
    %get3A_0 = arith.constant 0 : index
    %get3A_1 = vector.load %arg1[%get3A, %get3A_0] : memref<1024x128xf32, #tpu.memory_space<vmem>>, vector<1024x128xf32>
    %get3A_2 = arith.constant 0 : index
    %get3A_3 = arith.constant 0 : index
    %get3A_4 = vector.load %arg2[%get3A_2, %get3A_3] : memref<128x64xf32, #tpu.memory_space<vmem>>, vector<128x64xf32>
    %dot_general3A = arith.constant dense<0.000000e+00> : vector<1024x64xf32>
    %dot_general3A_5 = tpu.matmul %get3A_1, %get3A_4, %dot_general3A {dimension_numbers = #tpu.dot_dimension_numbers<[1], [0], [0], [1], [0, 0, 1, 1], [], []>, transpose_lhs_hint = false} : vector<1024x128xf32>, vector<128x64xf32>, vector<1024x64xf32> -> vector<1024x64xf32>
    %get3A_6 = arith.constant 0 : index
    %get3A_7 = arith.constant 0 : index
    %get3A_8 = arith.constant 0 : index
    %get3A_9 = arith.constant 0 : index
    %get3A_10 = vector.load %arg3[%get3A_6, %get3A_7, %get3A_8, %get3A_9] : memref<2x2x1024x8xf32, #tpu.memory_space<vmem>>, vector<1x1x1024x1xf32>
    %get3A_11 = vector.shape_cast %get3A_10 : vector<1x1x1024x1xf32> to vector<1024xf32>
    %get3A_12 = arith.constant 1 : index
    %get3A_13 = arith.constant 0 : index
    %get3A_14 = arith.constant 0 : index
    %get3A_15 = arith.constant 0 : index
    %get3A_16 = vector.load %arg3[%get3A_12, %get3A_13, %get3A_14, %get3A_15] : memref<2x2x1024x8xf32, #tpu.memory_space<vmem>>, vector<1x1x1024x1xf32>
    %get3A_17 = vector.shape_cast %get3A_16 : vector<1x1x1024x1xf32> to vector<1024xf32>
    %add3A = arith.addf %get3A_11, %get3A_17 : vector<1024xf32>
    %add3A_18 = arith.constant 1.000000e+00 : f32
    %add3A_19 = vector.broadcast %add3A_18 : f32 to vector<1024xf32>
    %add3A_20 = arith.addf %add3A, %add3A_19 : vector<1024xf32>
    %rsqrt3A = math.rsqrt %add3A_20 : vector<1024xf32>
    %broadcast_in_dim3A = vector.shape_cast %rsqrt3A : vector<1024xf32> to vector<1024x1xf32>
    %mul3A = vector.broadcast %broadcast_in_dim3A : vector<1024x1xf32> to vector<1024x64xf32>
    %mul3A_21 = arith.mulf %dot_general3A_5, %mul3A : vector<1024x64xf32>
    %swap3A = arith.constant 0 : index
    %swap3A_22 = arith.constant 0 : index
    %swap3A_23 = vector.load %arg4[%swap3A, %swap3A_22] : memref<1024x64xf32, #tpu.memory_space<vmem>>, vector<1024x64xf32>
    tpu.vector_store %arg4[%swap3A, %swap3A_22], %mul3A_21 {strides = array<i32>} : memref<1024x64xf32, #tpu.memory_space<vmem>>, vector<1024x64xf32>,
    return
  }
  func.func @transform_0(%arg0: i32) -> (i32, i32) {
    %c0_i32 = arith.constant 0 : i32
    %c0_i32_0 = arith.constant 0 : i32
    return %arg0, %c0_i32 : i32, i32
  }
  func.func @transform_1(%arg0: i32) -> (i32, i32) {
    %c0_i32 = arith.constant 0 : i32
    %c0_i32_0 = arith.constant 0 : i32
    %c0_i32_1 = arith.constant 0 : i32
    return %c0_i32, %c0_i32_0 : i32, i32
  }
  func.func @transform_2(%arg0: i32) -> (i32, i32, i32, i32) {
    %c0_i32 = arith.constant 0 : i32
    %c0_i32_0 = arith.constant 0 : i32
    %c0_i32_1 = arith.constant 0 : i32
    %c0_i32_2 = arith.constant 0 : i32
    return %c0_i32, %c0_i32_0, %arg0, %c0_i32_1 : i32, i32, i32, i32
  }
  func.func @transform_3(%arg0: i32) -> (i32, i32) {
    %c0_i32 = arith.constant 0 : i32
    %c0_i32_0 = arith.constant 0 : i32
    return %arg0, %c0_i32 : i32, i32
  }
}

module attributes {stable_mosaic.version = 14 : i64} {
  func.func @_mm2_body(%arg0: i32, %arg1: memref<2x1024x64xf32, #tpu.memory_space<vmem>>, %arg2: memref<1024x64xf32, #tpu.memory_space<vmem>>, %arg3: memref<2x2x1024x8xf32, #tpu.memory_space<vmem>>, %arg4: memref<1x64xf32, #tpu.memory_space<vmem>>, %arg5: memref<64x32xf32, #tpu.memory_space<vmem>>, %arg6: memref<1024x32xf32, #tpu.memory_space<vmem>>) attributes {dimension_semantics = [#tpu.dimension_semantics<arbitrary>], iteration_bounds = array<i64: 10>, scalar_prefetch = 0 : i64, scratch_operands = 0 : i64, tpu.core_type = #tpu.core_type<tc>, window_params = [{transform_indices = @transform_0, window_bounds = array<i64: 2, 1024, 64>}, {transform_indices = @transform_1, window_bounds = array<i64: 1024, 64>}, {transform_indices = @transform_2, window_bounds = array<i64: 2, 2, 1024, 8>}, {pipeline_mode = #tpu.pipeline_mode<synchronous>, transform_indices = @transform_3, window_bounds = array<i64: 1, 64>}, {pipeline_mode = #tpu.pipeline_mode<synchronous>, transform_indices = @transform_4, window_bounds = array<i64: 64, 32>}, {transform_indices = @transform_5, window_bounds = array<i64: 1024, 32>}]} {
    %get3A = arith.constant 0 : index
    %get3A_0 = arith.constant 0 : index
    %get3A_1 = arith.constant 0 : index
    %get3A_2 = vector.load %arg1[%get3A, %get3A_0, %get3A_1] : memref<2x1024x64xf32, #tpu.memory_space<vmem>>, vector<1x1024x64xf32>
    %get3A_3 = vector.shape_cast %get3A_2 : vector<1x1024x64xf32> to vector<1024x64xf32>
    %get3A_4 = arith.constant 1 : index
    %get3A_5 = arith.constant 0 : index
    %get3A_6 = arith.constant 0 : index
    %get3A_7 = vector.load %arg1[%get3A_4, %get3A_5, %get3A_6] : memref<2x1024x64xf32, #tpu.memory_space<vmem>>, vector<1x1024x64xf32>
    %get3A_8 = vector.shape_cast %get3A_7 : vector<1x1024x64xf32> to vector<1024x64xf32>
    %add3A = arith.addf %get3A_3, %get3A_8 : vector<1024x64xf32>
    %get3A_9 = arith.constant 0 : index
    %get3A_10 = arith.constant 0 : index
    %get3A_11 = vector.load %arg2[%get3A_9, %get3A_10] : memref<1024x64xf32, #tpu.memory_space<vmem>>, vector<1024x64xf32>
    %sub3A = arith.subf %add3A, %get3A_11 : vector<1024x64xf32>
    %get3A_12 = arith.constant 0 : index
    %get3A_13 = arith.constant 0 : index
    %get3A_14 = arith.constant 0 : index
    %get3A_15 = arith.constant 0 : index
    %get3A_16 = vector.load %arg3[%get3A_12, %get3A_13, %get3A_14, %get3A_15] : memref<2x2x1024x8xf32, #tpu.memory_space<vmem>>, vector<1x1x1024x1xf32>
    %get3A_17 = vector.shape_cast %get3A_16 : vector<1x1x1024x1xf32> to vector<1024xf32>
    %get3A_18 = arith.constant 1 : index
    %get3A_19 = arith.constant 0 : index
    %get3A_20 = arith.constant 0 : index
    %get3A_21 = arith.constant 0 : index
    %get3A_22 = vector.load %arg3[%get3A_18, %get3A_19, %get3A_20, %get3A_21] : memref<2x2x1024x8xf32, #tpu.memory_space<vmem>>, vector<1x1x1024x1xf32>
    %get3A_23 = vector.shape_cast %get3A_22 : vector<1x1x1024x1xf32> to vector<1024xf32>
    %add3A_24 = arith.addf %get3A_17, %get3A_23 : vector<1024xf32>
    %add3A_25 = arith.constant 1.000000e+00 : f32
    %add3A_26 = vector.broadcast %add3A_25 : f32 to vector<1024xf32>
    %add3A_27 = arith.addf %add3A_24, %add3A_26 : vector<1024xf32>
    %rsqrt3A = math.rsqrt %add3A_27 : vector<1024xf32>
    %broadcast_in_dim3A = vector.shape_cast %rsqrt3A : vector<1024xf32> to vector<1024x1xf32>
    %mul3A = vector.broadcast %broadcast_in_dim3A : vector<1024x1xf32> to vector<1024x64xf32>
    %mul3A_28 = arith.mulf %mul3A, %sub3A : vector<1024x64xf32>
    %get3A_29 = arith.constant 0 : index
    %get3A_30 = arith.constant 0 : index
    %get3A_31 = vector.load %arg4[%get3A_29, %get3A_30] : memref<1x64xf32, #tpu.memory_space<vmem>>, vector<1x64xf32>
    %add3A_32 = vector.broadcast %get3A_31 : vector<1x64xf32> to vector<1024x64xf32>
    %add3A_33 = arith.addf %mul3A_28, %add3A_32 : vector<1024x64xf32>
    %max3A = arith.constant 0.000000e+00 : f32
    %max3A_34 = vector.broadcast %max3A : f32 to vector<1024x64xf32>
    %max3A_35 = arith.maximumf %add3A_33, %max3A_34 : vector<1024x64xf32>
    %get3A_36 = arith.constant 0 : index
    %get3A_37 = arith.constant 0 : index
    %get3A_38 = vector.load %arg5[%get3A_36, %get3A_37] : memref<64x32xf32, #tpu.memory_space<vmem>>, vector<64x32xf32>
    %dot_general3A = arith.constant dense<0.000000e+00> : vector<1024x32xf32>
    %dot_general3A_39 = tpu.matmul %max3A_35, %get3A_38, %dot_general3A {dimension_numbers = #tpu.dot_dimension_numbers<[1], [0], [0], [1], [0, 0, 1, 1], [], []>, transpose_lhs_hint = false} : vector<1024x64xf32>, vector<64x32xf32>, vector<1024x32xf32> -> vector<1024x32xf32>
    %get3A_40 = arith.constant 0 : index
    %get3A_41 = arith.constant 1 : index
    %get3A_42 = arith.constant 0 : index
    %get3A_43 = arith.constant 0 : index
    %get3A_44 = vector.load %arg3[%get3A_40, %get3A_41, %get3A_42, %get3A_43] : memref<2x2x1024x8xf32, #tpu.memory_space<vmem>>, vector<1x1x1024x1xf32>
    %get3A_45 = vector.shape_cast %get3A_44 : vector<1x1x1024x1xf32> to vector<1024xf32>
    %get3A_46 = arith.constant 1 : index
    %get3A_47 = arith.constant 1 : index
    %get3A_48 = arith.constant 0 : index
    %get3A_49 = arith.constant 0 : index
    %get3A_50 = vector.load %arg3[%get3A_46, %get3A_47, %get3A_48, %get3A_49] : memref<2x2x1024x8xf32, #tpu.memory_space<vmem>>, vector<1x1x1024x1xf32>
    %get3A_51 = vector.shape_cast %get3A_50 : vector<1x1x1024x1xf32> to vector<1024xf32>
    %add3A_52 = arith.addf %get3A_45, %get3A_51 : vector<1024xf32>
    %add3A_53 = arith.constant 1.000000e+00 : f32
    %add3A_54 = vector.broadcast %add3A_53 : f32 to vector<1024xf32>
    %add3A_55 = arith.addf %add3A_52, %add3A_54 : vector<1024xf32>
    %rsqrt3A_56 = math.rsqrt %add3A_55 : vector<1024xf32>
    %broadcast_in_dim3A_57 = vector.shape_cast %rsqrt3A_56 : vector<1024xf32> to vector<1024x1xf32>
    %mul3A_58 = vector.broadcast %broadcast_in_dim3A_57 : vector<1024x1xf32> to vector<1024x32xf32>
    %mul3A_59 = arith.mulf %dot_general3A_39, %mul3A_58 : vector<1024x32xf32>
    %swap3A = arith.constant 0 : index
    %swap3A_60 = arith.constant 0 : index
    %swap3A_61 = vector.load %arg6[%swap3A, %swap3A_60] : memref<1024x32xf32, #tpu.memory_space<vmem>>, vector<1024x32xf32>
    tpu.vector_store %arg6[%swap3A, %swap3A_60], %mul3A_59 {strides = array<i32>} : memref<1024x32xf32, #tpu.memory_space<vmem>>, vector<1024x32xf32>,
    return
  }
  func.func @transform_0(%arg0: i32) -> (i32, i32, i32) {
    %c0_i32 = arith.constant 0 : i32
    %c0_i32_0 = arith.constant 0 : i32
    %c0_i32_1 = arith.constant 0 : i32
    return %c0_i32, %arg0, %c0_i32_0 : i32, i32, i32
  }
  func.func @transform_1(%arg0: i32) -> (i32, i32) {
    %c0_i32 = arith.constant 0 : i32
    %c0_i32_0 = arith.constant 0 : i32
    return %arg0, %c0_i32 : i32, i32
  }
  func.func @transform_2(%arg0: i32) -> (i32, i32, i32, i32) {
    %c0_i32 = arith.constant 0 : i32
    %c0_i32_0 = arith.constant 0 : i32
    %c0_i32_1 = arith.constant 0 : i32
    %c0_i32_2 = arith.constant 0 : i32
    return %c0_i32, %c0_i32_0, %arg0, %c0_i32_1 : i32, i32, i32, i32
  }
  func.func @transform_3(%arg0: i32) -> (i32, i32) {
    %c0_i32 = arith.constant 0 : i32
    %c0_i32_0 = arith.constant 0 : i32
    %c0_i32_1 = arith.constant 0 : i32
    return %c0_i32, %c0_i32_0 : i32, i32
  }
  func.func @transform_4(%arg0: i32) -> (i32, i32) {
    %c0_i32 = arith.constant 0 : i32
    %c0_i32_0 = arith.constant 0 : i32
    %c0_i32_1 = arith.constant 0 : i32
    return %c0_i32, %c0_i32_0 : i32, i32
  }
  func.func @transform_5(%arg0: i32) -> (i32, i32) {
    %c0_i32 = arith.constant 0 : i32
    %c0_i32_0 = arith.constant 0 : i32
    return %arg0, %c0_i32 : i32, i32
  }
}

module attributes {stable_mosaic.version = 14 : i64} {
  func.func @_fin_body(%arg0: i32, %arg1: memref<2x1024x32xf32, #tpu.memory_space<vmem>>, %arg2: memref<1024x32xf32, #tpu.memory_space<vmem>>, %arg3: memref<2x2x1024x8xf32, #tpu.memory_space<vmem>>, %arg4: memref<1x32xf32, #tpu.memory_space<vmem>>, %arg5: memref<1024x32xf32, #tpu.memory_space<vmem>>) attributes {dimension_semantics = [#tpu.dimension_semantics<arbitrary>], iteration_bounds = array<i64: 10>, scalar_prefetch = 0 : i64, scratch_operands = 0 : i64, tpu.core_type = #tpu.core_type<tc>, window_params = [{transform_indices = @transform_0, window_bounds = array<i64: 2, 1024, 32>}, {transform_indices = @transform_1, window_bounds = array<i64: 1024, 32>}, {transform_indices = @transform_2, window_bounds = array<i64: 2, 2, 1024, 8>}, {pipeline_mode = #tpu.pipeline_mode<synchronous>, transform_indices = @transform_3, window_bounds = array<i64: 1, 32>}, {transform_indices = @transform_4, window_bounds = array<i64: 1024, 32>}]} {
    %get3A = arith.constant 0 : index
    %get3A_0 = arith.constant 0 : index
    %get3A_1 = arith.constant 0 : index
    %get3A_2 = vector.load %arg1[%get3A, %get3A_0, %get3A_1] : memref<2x1024x32xf32, #tpu.memory_space<vmem>>, vector<1x1024x32xf32>
    %get3A_3 = vector.shape_cast %get3A_2 : vector<1x1024x32xf32> to vector<1024x32xf32>
    %get3A_4 = arith.constant 1 : index
    %get3A_5 = arith.constant 0 : index
    %get3A_6 = arith.constant 0 : index
    %get3A_7 = vector.load %arg1[%get3A_4, %get3A_5, %get3A_6] : memref<2x1024x32xf32, #tpu.memory_space<vmem>>, vector<1x1024x32xf32>
    %get3A_8 = vector.shape_cast %get3A_7 : vector<1x1024x32xf32> to vector<1024x32xf32>
    %add3A = arith.addf %get3A_3, %get3A_8 : vector<1024x32xf32>
    %get3A_9 = arith.constant 0 : index
    %get3A_10 = arith.constant 0 : index
    %get3A_11 = vector.load %arg2[%get3A_9, %get3A_10] : memref<1024x32xf32, #tpu.memory_space<vmem>>, vector<1024x32xf32>
    %sub3A = arith.subf %add3A, %get3A_11 : vector<1024x32xf32>
    %get3A_12 = arith.constant 0 : index
    %get3A_13 = arith.constant 1 : index
    %get3A_14 = arith.constant 0 : index
    %get3A_15 = arith.constant 0 : index
    %get3A_16 = vector.load %arg3[%get3A_12, %get3A_13, %get3A_14, %get3A_15] : memref<2x2x1024x8xf32, #tpu.memory_space<vmem>>, vector<1x1x1024x1xf32>
    %get3A_17 = vector.shape_cast %get3A_16 : vector<1x1x1024x1xf32> to vector<1024xf32>
    %get3A_18 = arith.constant 1 : index
    %get3A_19 = arith.constant 1 : index
    %get3A_20 = arith.constant 0 : index
    %get3A_21 = arith.constant 0 : index
    %get3A_22 = vector.load %arg3[%get3A_18, %get3A_19, %get3A_20, %get3A_21] : memref<2x2x1024x8xf32, #tpu.memory_space<vmem>>, vector<1x1x1024x1xf32>
    %get3A_23 = vector.shape_cast %get3A_22 : vector<1x1x1024x1xf32> to vector<1024xf32>
    %add3A_24 = arith.addf %get3A_17, %get3A_23 : vector<1024xf32>
    %add3A_25 = arith.constant 1.000000e+00 : f32
    %add3A_26 = vector.broadcast %add3A_25 : f32 to vector<1024xf32>
    %add3A_27 = arith.addf %add3A_24, %add3A_26 : vector<1024xf32>
    %rsqrt3A = math.rsqrt %add3A_27 : vector<1024xf32>
    %broadcast_in_dim3A = vector.shape_cast %rsqrt3A : vector<1024xf32> to vector<1024x1xf32>
    %mul3A = vector.broadcast %broadcast_in_dim3A : vector<1024x1xf32> to vector<1024x32xf32>
    %mul3A_28 = arith.mulf %mul3A, %sub3A : vector<1024x32xf32>
    %get3A_29 = arith.constant 0 : index
    %get3A_30 = arith.constant 0 : index
    %get3A_31 = vector.load %arg4[%get3A_29, %get3A_30] : memref<1x32xf32, #tpu.memory_space<vmem>>, vector<1x32xf32>
    %add3A_32 = vector.broadcast %get3A_31 : vector<1x32xf32> to vector<1024x32xf32>
    %add3A_33 = arith.addf %mul3A_28, %add3A_32 : vector<1024x32xf32>
    %swap3A = arith.constant 0 : index
    %swap3A_34 = arith.constant 0 : index
    %swap3A_35 = vector.load %arg5[%swap3A, %swap3A_34] : memref<1024x32xf32, #tpu.memory_space<vmem>>, vector<1024x32xf32>
    tpu.vector_store %arg5[%swap3A, %swap3A_34], %add3A_33 {strides = array<i32>} : memref<1024x32xf32, #tpu.memory_space<vmem>>, vector<1024x32xf32>,
    return
  }
  func.func @transform_0(%arg0: i32) -> (i32, i32, i32) {
    %c0_i32 = arith.constant 0 : i32
    %c0_i32_0 = arith.constant 0 : i32
    %c0_i32_1 = arith.constant 0 : i32
    return %c0_i32, %arg0, %c0_i32_0 : i32, i32, i32
  }
  func.func @transform_1(%arg0: i32) -> (i32, i32) {
    %c0_i32 = arith.constant 0 : i32
    %c0_i32_0 = arith.constant 0 : i32
    return %arg0, %c0_i32 : i32, i32
  }
  func.func @transform_2(%arg0: i32) -> (i32, i32, i32, i32) {
    %c0_i32 = arith.constant 0 : i32
    %c0_i32_0 = arith.constant 0 : i32
    %c0_i32_1 = arith.constant 0 : i32
    %c0_i32_2 = arith.constant 0 : i32
    return %c0_i32, %c0_i32_0, %arg0, %c0_i32_1 : i32, i32, i32, i32
  }
  func.func @transform_3(%arg0: i32) -> (i32, i32) {
    %c0_i32 = arith.constant 0 : i32
    %c0_i32_0 = arith.constant 0 : i32
    %c0_i32_1 = arith.constant 0 : i32
    return %c0_i32, %c0_i32_0 : i32, i32
  }
  func.func @transform_4(%arg0: i32) -> (i32, i32) {
    %c0_i32 = arith.constant 0 : i32
    %c0_i32_0 = arith.constant 0 : i32
    return %arg0, %c0_i32 : i32, i32
  }
}

</mosaic_0001>

<sc_bundles>
// kernel: _run.11.cloned.1.call-start
scs
__scs_entry_jumppad:
0x0: {  	(pc) =	sbr.rel $0x88, $3  }
0x1: {  	(tag) =	ssettag $0x0;
	lr =	simm.s32 $0x1  }
0x2: {  	[smem:$0x3F9A] =	sst lr;
	_ =	strace $0xD0000000  }
0x3: {  	_ = 	snop  }
0x4: {  	_ = 	snop  }
0x5: {  	_ = 	snop  }
0x6: {  	_ = 	snop  }
0x7: {  	_ = 	snop  }
__scs_overlays_trampoline_lowered:
0x8: {  	[smem:$0x3FA9] =	sst s0  }
0x9: {  	[smem:$0x3FAA] =	sst s1  }
0xa: {  	[smem:$0x3FAB] =	sst s2  }
0xb: {  	[smem:$0x3FAC] =	sst s3  }
0xc: {  	[smem:$0x3FAD] =	sst s4  }
0xd: {  	[smem:$0x3FAE] =	sst s5  }
0xe: {  	[smem:$0x3FAF] =	sst s6  }
0xf: {  	[smem:$0x3FB0] =	sst s7  }
0x10: {  	[smem:$0x3FB1] =	sst s8  }
0x11: {  	[smem:$0x3FB2] =	sst s9;
	s0 =	simm.s32 @!p0 $0x0  }
0x12: {  	s1 =	sld [smem:$0x3F98];
	s0 =	simm.s32 @p0 $0x1  }
0x13: {  	[smem:$0x3FB3] =	sst s0;
	s0 =	simm.s32 @!p1 $0x0  }
0x14: {  	s2 =	sld [smem:$0x3F97];
	s0 =	simm.s32 @p1 $0x1  }
0x15: {  	[smem:$0x3FB4] =	sst s0;
	s0 =	simm.s32 @!p2 $0x0  }
0x16: {  	s3 =	sld [smem:$0x3FDB];
	s0 =	simm.s32 @p2 $0x1  }
0x17: {  	s4 =	simm.s32 $0x1BF5;
	[smem:$0x3FB6] =	sst s0  }
0x18: {  	s0 =	sld [smem:$0x3F99];
	_ =	swait.ge [sflag:s4], $0x0  }
0x19: {  	s7 =	sld [smem:$0x3F9A]  }
0x1a: {  	s8 =	sadd.s32 $0xFFFFE003, lr  }
0x1b: {  	s9 =	sadd.s32 $0xFFFFFEF7, lr;
	s5 =	simm.s32 $0xFFFFFFFF;
	p2 =	slt.u32 s8, $0xFFFFF086  }
0x1c: {  	p1 =	slt.u32 s9, $0xF7A;
	s5 =	simm.s32 @!p2 $0x0  }
0x1d: {  	s5 =	simm.s32 @p1 $0x1;
	p0 =	seq.s32 s7, s2  }
0x1e: {  	s7 =	smul.u32 @!p0 $0xF7A, s2;
	p2 =	seq.s32 @!p0 s5, $0x0  }
0x1f: {  	s9 =	smul.u32 $0xF7A, s1;
	s8 =	simm.s32 @!p0 $0x1BF5;
	p2 =	por !p2, p0  }
0x20: {  	[sflag:s8] =	ssyncset.s32 @!p0 $0xFFFFF086;
	s6 =	sadd.s32 @!p0 s3, s7;
	s7 =	simm.s32 @!p0 $0x108  }
0x21: {  	s3 =	sadd.s32 s3, s9;
	s6 =	sadd.s32 @!p0 $0x88, s6;
	s7 =	simm.s32 @p2 $0x1082  }
0x22: {  	[simem:s7], [sflag:s8] =	dma.local @!p0 [hbm:s6], $0xF7A  }
0x23: {  	s9 =	sor.u32 $0xD0000000, s2;
	s6 =	simm.s32 $0x108;
	_ =	swait.ge @!p0 [sflag:s8], $0x0  }
0x24: {  	s3 =	sadd.s32 $0x88, s3;
	s6 =	simm.s32 @!p1 $0x1082;
	[sflag:s4] =	ssyncset.s32 $0xFFFFF086  }
0x25: {  	[simem:s6], [sflag:s4] =	dma.local [hbm:s3], $0xF7A  }
0x26: {  	[smem:$0x3F9A] =	sst s1;
	(tag) =	ssettag s2;
	_ =	strace s9  }
0x27: {  	s1 =	sld [smem:$0x3FAA]  }
0x28: {  	s2 =	sld [smem:$0x3FAB]  }
0x29: {  	s4 =	sld [smem:$0x3FAD]  }
0x2a: {  	p0 =	seq.s32 s5, $0x0;
	s5 =	sld [smem:$0x3FAE]  }
0x2b: {  	s6 =	sld [smem:$0x3FAF]  }
0x2c: {  	s7 =	sld [smem:$0x3FB0]  }
0x2d: {  	s3 =	simm.s32 $0x108;
	s8 =	sld [smem:$0x3FB1]  }
0x2e: {  	s3 =	simm.s32 @!p0 $0x1082;
	s9 =	sld [smem:$0x3FB2]  }
0x2f: {  	lr =	sadd.s32 s0, s3;
	s0 =	sld [smem:$0x3FA9]  }
0x30: {  	s3 =	sld [smem:$0x3FAC]  }
0x31: {  	[smem:$0x3FB5] =	sst s10  }
0x32: {  	s10 =	sld [smem:$0x3FB3];
	_ =	sdelay $0x3  }
0x33: {  	p0 =	seq.s32 s10, $0x1;
	s10 =	sld [smem:$0x3FB5];
	_ =	sdelay $0x3  }
0x34: {  	[smem:$0x3FB5] =	sst s10  }
0x35: {  	s10 =	sld [smem:$0x3FB4];
	_ =	sdelay $0x3  }
0x36: {  	p1 =	seq.s32 s10, $0x1;
	s10 =	sld [smem:$0x3FB5];
	_ =	sdelay $0x3  }
0x37: {  	[smem:$0x3FB5] =	sst s10  }
0x38: {  	s10 =	sld [smem:$0x3FB6]  }
0x39: {  	_ = 	snop;
	(pc) =	sbr.ind lr, $3  }
0x3a: {  	_ = 	snop  }
0x3b: {  	_ = 	snop  }
0x3c: {  	p2 =	seq.s32 s10, $0x1;
	s10 =	sld [smem:$0x3FB5]  }
0x3d: {  	_ =	shalt  }
0x3e: {  	_ =	shalt  }
0x3f: {  	_ =	shalt  }
0x40: {  	_ =	shalt  }
0x41: {  	_ =	shalt  }
0x42: {  	_ =	shalt  }
0x43: {  	_ =	shalt  }
0x44: {  	_ =	shalt  }
0x45: {  	_ =	shalt  }
0x46: {  	_ =	shalt  }
0x47: {  	_ =	shalt  }
0x48: {  	_ =	shalt  }
0x49: {  	_ =	shalt  }
0x4a: {  	_ =	shalt  }
0x4b: {  	_ =	shalt  }
0x4c: {  	_ =	shalt  }
0x4d: {  	_ =	shalt  }
0x4e: {  	_ =	shalt  }
0x4f: {  	_ =	shalt  }
0x50: {  	_ =	shalt  }
0x51: {  	_ =	shalt  }
0x52: {  	_ =	shalt  }
0x53: {  	_ =	shalt  }
0x54: {  	_ =	shalt  }
0x55: {  	_ =	shalt  }
0x56: {  	_ =	shalt  }
0x57: {  	_ =	shalt  }
0x58: {  	_ =	shalt  }
0x59: {  	_ =	shalt  }
0x5a: {  	_ =	shalt  }
0x5b: {  	_ =	shalt  }
0x5c: {  	_ =	shalt  }
0x5d: {  	_ =	shalt  }
0x5e: {  	_ =	shalt  }
0x5f: {  	_ =	shalt  }
0x60: {  	_ =	shalt  }
0x61: {  	_ =	shalt  }
0x62: {  	_ =	shalt  }
0x63: {  	_ =	shalt  }
0x64: {  	_ =	shalt  }
0x65: {  	_ =	shalt  }
0x66: {  	_ =	shalt  }
0x67: {  	_ =	shalt  }
0x68: {  	_ =	shalt  }
0x69: {  	_ =	shalt  }
0x6a: {  	_ =	shalt  }
0x6b: {  	_ =	shalt  }
0x6c: {  	_ =	shalt  }
0x6d: {  	_ =	shalt  }
0x6e: {  	_ =	shalt  }
0x6f: {  	_ =	shalt  }
0x70: {  	_ =	shalt  }
0x71: {  	_ =	shalt  }
0x72: {  	_ =	shalt  }
0x73: {  	_ =	shalt  }
0x74: {  	_ =	shalt  }
0x75: {  	_ =	shalt  }
0x76: {  	_ =	shalt  }
0x77: {  	_ =	shalt  }
0x78: {  	_ =	shalt  }
0x79: {  	_ =	shalt  }
0x7a: {  	_ =	shalt  }
0x7b: {  	_ =	shalt  }
0x7c: {  	_ =	shalt  }
0x7d: {  	_ =	shalt  }
0x7e: {  	_ =	shalt  }
0x7f: {  	_ =	shalt  }
0x80: {  	_ =	shalt  }
0x81: {  	_ =	shalt  }
0x82: {  	_ =	shalt  }
0x83: {  	_ =	shalt  }
0x84: {  	_ =	shalt  }
0x85: {  	_ =	shalt  }
0x86: {  	_ =	shalt  }
0x87: {  	_ =	shalt  }
.Lfunc_end0:
.L_simem_size_0:
called_computation.1_lowered:
.L_overlay_start_0:
0x88: {  	s2 =	sld [smem:$0x3FD9]  }
0x89: {  	s3 =	sld [smem:$0x3FFE];
	_ =	sdelay $0x1  }
0x8a: {  	s1 =	srdreg.scid  }
0x8b: {  	s0 =	sand.u32 $0x1, s1  }
0x8c: {  	s16 =	sshll.u32 s0, $0xA;
	s2 =	sadd.s32 s3, s2  }
0x8d: {  	s2 =	sadd.s32 s2, s16  }
0x8e: {  	[smem:$0x3FC1] =	sst s2  }
0x8f: {  	_ = 	snop  }
0x90: {  	(tm) =	ssettm $0x1  }
0x91: {  	s17 =	sld [smem:$0x3FFB];
	_ =	sdelay $0x3  }
0x92: {  	_ =	strace s17  }
0x93: {  	s2 =	sld [smem:$0x3FFC];
	_ =	sdelay $0x3  }
0x94: {  	_ =	strace s2  }
0x95: {  	s2 =	sld [smem:$0x3FFD];
	_ =	sdelay $0x3  }
0x96: {  	_ =	strace s2  }
0x97: {  	_ =	strace $0x8FFFFFFF  }
0x98: {  	s18 =	sld [smem:$0x3FDB];
	_ =	sdelay $0x1  }
0x99: {  	s19 =	simm.s32 $_scs_section_size  }
0x9a: {  	s4 =	simm.s32 $_size__tile_overlayer_lowered;
	s5 =	simm.s32 $_tile_overlayer_lowered  }
0x9b: {  	s22 =	simm.s32 $0x1BFF;
	s21 =	sshll.u32 s5, $0x1;
	s2 =	sadd.s32 s19, s18  }
0x9c: {  	s6 =	simm.s32 $0x0;
	s20 =	sshll.u32 s4, $0x1;
	s4 =	sadd.s32 s21, s2  }
0x9d: {  	[timem:s6], [sflag:s22] =	dma.local [hbm:s4], s20  }
0x9e: {  	_ =	swait.ge [sflag:s22], s20  }
0x9f: {  	s3 =	ssub.s32 $0x0, s20;
	[sflag:s22] =	ssyncset.done $0x0  }
0xa0: {  	[sflag:s22] =	ssyncadd.s32 s3;
	_ =	sdelay $0x1  }
0xa1: {  	s23 =	simm.s32 $0x1B8B  }
0xa2: {  	_ =	swait.ge [sflag:s23], $0x1  }
0xa3: {  	[sflag:s23] =	ssyncset.done $0x0  }
0xa4: {  	s25 =	simm.s32 $0x1B8E;
	s24 =	sld [smem:$0x3FFE];
	[sflag:s23] =	ssyncadd.s32 $0xFFFFFFFF  }
0xa5: {  	s26 =	simm.s32 $execute0_lowered;
	[smem:$0x3FD2] =	sst s25  }
0xa6: {  	s4 =	sshll.u32 s26, $0x1;
	_ =	strace $0x80000049;
	[dreg:$0x1] =	wrdreg $0xFFFFFFFF  }
0xa7: {  	s28 =	simm.s32 $_size_execute0_lowered;
	s2 =	sadd.s32 s2, s4;
	[dreg:$0x0] =	wrdreg $0x0  }
0xa8: {  	s4 =	sshll.u32 s28, $0x1;
	[dreg:$0x2] =	wrdreg s2  }
0xa9: {  	[dreg:$0x3] =	wrdreg s4  }
0xaa: {  	[dreg:$0x4] =	wrdreg $0xC0  }
0xab: {  	_ =	task [dreg:s6], $0x5FFFF  }
0xac: {  	[dreg:$0x1] =	wrdreg $0xFFFFFFFF  }
0xad: {  	[dreg:$0x0] =	wrdreg $0x60  }
0xae: {  	[dreg:$0x2] =	wrdreg s24  }
0xaf: {  	[dreg:$0x3] =	wrdreg $0x130000  }
0xb0: {  	[dreg:$0x4] =	wrdreg $0x90000  }
0xb1: {  	[dreg:$0x5] =	wrdreg $0x9  }
0xb2: {  	_ =	task.clear_ibuf [dreg:s6], $0x6FFFF;
	_ =	strace $0x90000049  }
0xb3: {  	s29 =	simm.s32 $0x9;
	_ =	strace $0x8000004B  }
0xb4: {  	_ =	swait.ge [sflag:s29], $0x1  }
0xb5: {  	[sflag:s29] =	ssyncadd.s32 $0xFFFFFFFF  }
0xb6: {  	_ =	strace $0x9000004B  }
0xb7: {  	_ =	sfence  }
0xb8: {  	s30 =	sld [smem:$0x0];
	_ =	sdelay $0x2  }
0xb9: {  	s31 =	sshll.u32 s1, $0xD;
	s1 =	sshrl.u32 s1, $0x2  }
0xba: {  	s3 =	sand.u32 $0x4000, s31;
	s1 =	sadd.s32 s1, s30  }
0xbb: {  	s0 =	sor.u32 s3, s0;
	s1 =	sshll.u32 s1, $0x11  }
0xbc: {  	s0 =	sor.u32 s1, s0  }
0xbd: {  	s0 =	sadd.s32 $0x8F2B, s0  }
0xbe: {  	[sflag:s0] =	ssyncadd.remote.s32 $0x1  }
0xbf: {  	_ =	sfence.sel $0xFFFF  }
0xc0: {  	[dreg:$0x0] =	wrdreg $0xFFFFFFFF;
	(pc) =	sbr.abs _section_cstart, $3  }
0xc1: {  	[dreg:$0x1] =	wrdreg $0xFFFFFFFF  }
0xc2: {  	_ =	task.clear_ibuf [dreg:s6], $0x2FFFF;
	_ =	strace $0x9FFFFFFF  }
0xc3: {  	(tm) =	ssettm $0x7FFFFFFF  }
tec
execute0_lowered:
.L_overlay_start_1:
0x0: {  	(tag) =	ssettag $0x1  }
0x1: {  	s5 =	rddreg [dreg:$0x0]  }
0x2: {  	s2 =	rddreg [dreg:$0x1]  }
0x3: {  	s3 =	rddreg [dreg:$0x2]  }
0x4: {  	s0 =	rddreg [dreg:$0x3]  }
0x5: {  	s1 =	stileid.u32;
	s6 =	srdreg.scid  }
0x6: {  	s4 =	simm.s32 $0x0;
	s15 =	simm.s32 $0x80;
	s16 =	simm.s32 $0x5000  }
0x7: {  	s17 =	simm.s32 $0x7000;
	s18 =	simm.s32 $0x1;
	s19 =	simm.s32 $0x2  }
0x8: {  	s20 =	simm.s32 $0x4F00;
	s21 =	simm.s32 $0x4F80;
	s22 =	simm.s32 $0x0  }
0x9: {  	s8 =	smul.u32 $0xA000, s1;
	s6 =	sand.u32 $0x1, s6;
	[smem:$0x7FF] =	sst s4  }
0xa: {  	s7 =	sshll.u32 s1, $0x1;
	s12 =	sshll.u32 s1, $0x6;
	s9 =	smul.u32 $0xA0000, s6  }
0xb: {  	_ =	strace $0x8000004A;
	s7 =	sor.u32 s6, s7;
	s6 =	ssub.s32 $0x2, s6  }
0xc: {  	s12 =	sor.u32 $0x1C03, s12;
	s10 =	sshrl.u32 s8, $0x3;
	s7 =	smul.u32 $0x500, s7  }
0xd: {  	s11 =	sshrl.u32 s6, $0x1;
	s13 =	sadd.s32 s8, s2;
	s14 =	sadd.s32 s8, s3  }
0xe: {  	s9 =	sadd.s32 s8, s9;
	s10 =	sadd.s32 s10, s5;
	s11 =	ssub.s32 s6, s11  }
0xf: {  	s13 =	sshrl.u32 s13, $0x3;
	s9 =	sshrl.u32 s9, $0x3;
	s7 =	sadd.s32 s7, s5  }
0x10: {  	s14 =	sshrl.u32 s14, $0x3;
	s9 =	sadd.s32 s9, s5;
	s5 =	sadd.s32 $0x1EE00, s7  }
0x11: {  	s6 =	sadd.s32 $0xAC00, s7;
	s7 =	sadd.s32 $0xC8E00, s10;
	s10 =	simm.s32 $0x3  }
0x12: {  	s8 =	sadd.s32 $0xDCE00, s9;
	s9 =	smax.u32 s11, $0x1;
	s11 =	simm.s32 $0x2800  }
.LBB2_1:
0x13: {  	[tilespmem:s4], [sflag:$0x3] =	stream.linear.gather [hbm4b:s5+s4], $0x2800, $0x38;
	[tilespmem:$0x1D000] =	vst v63  }
0x14: {  	_ =	swait.ge [sflag:s10], $0x2800  }
0x15: {  	[sflag:s10] =	ssyncset.done $0x0  }
0x16: {  	[sflag:s10] =	ssyncadd.s32 $0xFFFFD800  }
0x17: {  	[tilespmem:s11], [sflag:$0x3] =	stream.linear.gather [hbm4b:s6+s4], $0x2800, $0x38;
	[tilespmem:$0x1D000] =	vst v63  }
0x18: {  	_ =	swait.ge [sflag:s10], $0x2800  }
0x19: {  	[sflag:s10] =	ssyncset.done $0x0  }
0x1a: {  	[sflag:s10] =	ssyncadd.s32 $0xFFFFD800  }
0x1b: {  	[spmem:s13], [sflag:s12] =	dma.local [hbm:s7], $0x1400  }
0x1c: {  	_ =	swait.ge [sflag:s10], $0x1400  }
0x1d: {  	[sflag:s10] =	ssyncset.done $0x0  }
0x1e: {  	[sflag:s10] =	ssyncadd.s32 $0xFFFFEC00  }
0x1f: {  	[spmem:s14], [sflag:s12] =	dma.local [hbm:s7], $0x1400  }
0x20: {  	_ =	swait.ge [sflag:s10], $0x1400  }
0x21: {  	[sflag:s10] =	ssyncset.done $0x0  }
0x22: {  	[sflag:s10] =	ssyncadd.s32 $0xFFFFEC00  }
0x23: {  	[bflag:$0x0] =	sbarrier.arrive $0xFFFF  }
0x24: {  	[tilespmem:s16], [sflag:$0x1] =	stream.indirect.gather [spmem:s2], $0x40, s4, s15, $0xb8;
	[tilespmem:$0x1D000] =	vst v63  }
0x25: {  	_ = 	snop  }
0x26: {  	[tilespmem:s17], [sflag:$0x2] =	stream.indirect.gather [spmem:s2], $0x40, s15, s15, $0xb8;
	[tilespmem:$0x1D000] =	vst v63  }
0x27: {  	_ =	swait.ge [sflag:s18], $0x2000  }
0x28: {  	[sflag:s18] =	ssyncset.done $0x0  }
0x29: {  	s23 =	simm.s32 $0x2800;
	[sflag:s18] =	ssyncadd.s32 $0xFFFFE000  }
0x2a: {  	[spmem:s3] =	stream.indirect.scatter.add.f32 [tilespmem:s16], [sflag:$0x3], $0x40, s23, s15, $0xb8;
	[tilespmem:$0x1D000] =	vst v63  }
0x2b: {  	_ =	swait.ge [sflag:s10], $0x2000  }
0x2c: {  	[sflag:s10] =	ssyncset.done $0x0  }
0x2d: {  	s30 =	simm.s32 $0x100;
	[sflag:s10] =	ssyncadd.s32 $0xFFFFE000  }
0x2e: {  	[tilespmem:s16], [sflag:$0x1] =	stream.indirect.gather [spmem:s2], $0x40, s30, s15, $0xb8;
	[tilespmem:$0x1D000] =	vst v63  }
0x2f: {  	_ =	swait.ge [sflag:s19], $0x2000  }
0x30: {  	[sflag:s19] =	ssyncset.done $0x0  }
0x31: {  	s31 =	simm.s32 $0x2880;
	[sflag:s19] =	ssyncadd.s32 $0xFFFFE000  }
0x32: {  	[spmem:s3] =	stream.indirect.scatter.add.f32 [tilespmem:s17], [sflag:$0x3], $0x40, s31, s15, $0xb8;
	[tilespmem:$0x1D000] =	vst v63  }
0x33: {  	_ =	swait.ge [sflag:s10], $0x2000  }
0x34: {  	[sflag:s10] =	ssyncset.done $0x0  }
0x35: {  	s24 =	simm.s32 $0x180;
	s23 =	simm.s32 $0x400;
	[sflag:s10] =	ssyncadd.s32 $0xFFFFE000  }
.LBB2_2:
0x36: {  	[tilespmem:s17], [sflag:$0x2] =	stream.indirect.gather [spmem:s2], $0x40, s24, s15, $0xb8;
	[tilespmem:$0x1D000] =	vst v63  }
0x37: {  	s24 =	smov.u32 s23  }
0x38: {  	p0 =	sne.s32 s23, $0x9800;
	s23 =	sadd.s32 $0x400, s23;
	_ =	swait.ge [sflag:s18], $0x2000  }
0x39: {  	s24 =	sshra.s32 s24, $0x2;
	[sflag:s18] =	ssyncset.done $0x0  }
0x3a: {  	s25 =	sadd.s32 $0x2800, s24;
	[sflag:s18] =	ssyncadd.s32 $0xFFFFE000  }
0x3b: {  	[spmem:s3] =	stream.indirect.scatter.add.f32 [tilespmem:s16], [sflag:$0x3], $0x40, s25, s15, $0xb8;
	[tilespmem:$0x1D000] =	vst v63  }
0x3c: {  	_ =	swait.ge [sflag:s10], $0x2000  }
0x3d: {  	[sflag:s10] =	ssyncset.done $0x0  }
0x3e: {  	s25 =	sadd.s32 $0x100, s24;
	[sflag:s10] =	ssyncadd.s32 $0xFFFFE000  }
0x3f: {  	[tilespmem:s16], [sflag:$0x1] =	stream.indirect.gather [spmem:s2], $0x40, s25, s15, $0xb8;
	[tilespmem:$0x1D000] =	vst v63  }
0x40: {  	_ =	swait.ge [sflag:s19], $0x2000  }
0x41: {  	[sflag:s19] =	ssyncset.done $0x0  }
.Ltmp0:
0x42: {  	s25 =	sadd.s32 $0x2880, s24;
	[sflag:s19] =	ssyncadd.s32 $0xFFFFE000;
	(pc) =	sbr.rel @p0 .LBB2_2-.Ltmp0, $4  }
0x43: {  	[spmem:s3] =	stream.indirect.scatter.add.f32 [tilespmem:s17], [sflag:$0x3], $0x40, s25, s15, $0xb8;
	[tilespmem:$0x1D000] =	vst v63  }
0x44: {  	_ =	swait.ge [sflag:s10], $0x2000  }
0x45: {  	[sflag:s10] =	ssyncset.done $0x0  }
0x46: {  	s24 =	sadd.s32 $0x180, s24;
	[sflag:s10] =	ssyncadd.s32 $0xFFFFE000  }
0x47: {  	[tilespmem:s17], [sflag:$0x2] =	stream.indirect.gather [spmem:s2], $0x40, s24, s15, $0xb8;
	[tilespmem:$0x1D000] =	vst v63  }
0x48: {  	_ =	swait.ge [sflag:s18], $0x2000  }
0x49: {  	[sflag:s18] =	ssyncset.done $0x0  }
0x4a: {  	[sflag:s18] =	ssyncadd.s32 $0xFFFFE000  }
0x4b: {  	[spmem:s3] =	stream.indirect.scatter.add.f32 [tilespmem:s16], [sflag:$0x3], $0x40, s20, s15, $0xb8;
	[tilespmem:$0x1D000] =	vst v63  }
0x4c: {  	_ =	swait.ge [sflag:s10], $0x2000  }
0x4d: {  	[sflag:s10] =	ssyncset.done $0x0  }
0x4e: {  	[sflag:s10] =	ssyncadd.s32 $0xFFFFE000  }
0x4f: {  	_ =	swait.ge [sflag:s19], $0x2000  }
0x50: {  	[sflag:s19] =	ssyncset.done $0x0  }
0x51: {  	[sflag:s19] =	ssyncadd.s32 $0xFFFFE000  }
0x52: {  	[spmem:s3] =	stream.indirect.scatter.add.f32 [tilespmem:s17], [sflag:$0x3], $0x40, s21, s15, $0xb8;
	[tilespmem:$0x1D000] =	vst v63  }
0x53: {  	_ =	swait.ge [sflag:s10], $0x2000  }
0x54: {  	s22 =	sadd.s32 $0x1, s22;
	[sflag:s10] =	ssyncset.done $0x0  }
0x55: {  	p0 =	sne.s32 s22, s9;
	[sflag:s10] =	ssyncadd.s32 $0xFFFFE000  }
.Ltmp1:
0x56: {  	[bflag:$0x0] =	sbarrier.arrive $0xFFFF;
	(pc) =	sbr.rel @p0 .LBB2_1-.Ltmp1, $4  }
0x57: {  	[hbm:s8], [sflag:s12] =	dma.local [spmem:s14], $0x1400  }
0x58: {  	_ =	swait.ge [sflag:s10], $0x1400  }
0x59: {  	[sflag:s10] =	ssyncset.done $0x0  }
0x5a: {  	[sflag:s10] =	ssyncadd.s32 $0xFFFFEC00  }
0x5b: {  	_ =	sfence.sel $0x180000  }
0x5c: {  	[bflag:$0x0] =	sbarrier.arrive $0xFFFF  }
0x5d: {  	p0 =	sne.s32 s1, $0x0;
	_ =	strace $0x9000004A  }
0x5e: {  	s0 =	sadd.s32 @!p0 $0x100000, s0;
	[bflag:$0x2] =	sbarrier.arrive $0xFFFF  }
0x5f: {  	[sflag:s0] =	ssyncadd.tile.s32 @!p0 $0x1;
	_ =	shalt  }
.Lfunc_end2:
_tile_overlayer_lowered:
.L_overlay_start_2:
0x60: {  	(tag) =	ssettag $0x2  }
0x61: {  	s0 =	rddreg [dreg:$0x0];
	s2 =	stileid.u32  }
0x62: {  	s1 =	rddreg [dreg:$0x1];
	p0 =	sne.s32 s2, $0x0  }
0x63: {  	s3 =	rddreg [dreg:$0x2];
	[bflag:$0x3] =	sbarrier.arrive $0xFFFF;
	s2 =	simm.s32 @!p0 $0x1C03  }
0x64: {  	[timem:s3], [sflag:s2] =	dma.local @!p0 [hbm:s0], s1  }
0x65: {  	s0 =	simm.s32 @!p0 $0x3  }
0x66: {  	_ =	swait.ge @!p0 [sflag:s0], s1  }
0x67: {  	s1 =	ssub.s32 @!p0 $0x0, s1;
	[sflag:s0] =	ssyncset.done @!p0 $0x0  }
0x68: {  	[sflag:s0] =	ssyncadd.s32 @!p0 s1  }
0x69: {  	[bflag:$0x3] =	sbarrier.arrive $0xFFFF  }
0x6a: {  	_ =	shalt  }

// kernel: _run.14.cloned.1.call-start
scs
__scs_entry_jumppad:
0x0: {  	(pc) =	sbr.rel $0x88, $3  }
0x1: {  	(tag) =	ssettag $0x0;
	lr =	simm.s32 $0x1  }
0x2: {  	[smem:$0x3F9A] =	sst lr;
	_ =	strace $0xD0000000  }
0x3: {  	_ = 	snop  }
0x4: {  	_ = 	snop  }
0x5: {  	_ = 	snop  }
0x6: {  	_ = 	snop  }
0x7: {  	_ = 	snop  }
__scs_overlays_trampoline_lowered:
0x8: {  	[smem:$0x3FA9] =	sst s0  }
0x9: {  	[smem:$0x3FAA] =	sst s1  }
0xa: {  	[smem:$0x3FAB] =	sst s2  }
0xb: {  	[smem:$0x3FAC] =	sst s3  }
0xc: {  	[smem:$0x3FAD] =	sst s4  }
0xd: {  	[smem:$0x3FAE] =	sst s5  }
0xe: {  	[smem:$0x3FAF] =	sst s6  }
0xf: {  	[smem:$0x3FB0] =	sst s7  }
0x10: {  	[smem:$0x3FB1] =	sst s8  }
0x11: {  	[smem:$0x3FB2] =	sst s9;
	s0 =	simm.s32 @!p0 $0x0  }
0x12: {  	s1 =	sld [smem:$0x3F98];
	s0 =	simm.s32 @p0 $0x1  }
0x13: {  	[smem:$0x3FB3] =	sst s0;
	s0 =	simm.s32 @!p1 $0x0  }
0x14: {  	s2 =	sld [smem:$0x3F97];
	s0 =	simm.s32 @p1 $0x1  }
0x15: {  	[smem:$0x3FB4] =	sst s0;
	s0 =	simm.s32 @!p2 $0x0  }
0x16: {  	s3 =	sld [smem:$0x3FDB];
	s0 =	simm.s32 @p2 $0x1  }
0x17: {  	s4 =	simm.s32 $0x1BF5;
	[smem:$0x3FB6] =	sst s0  }
0x18: {  	s0 =	sld [smem:$0x3F99];
	_ =	swait.ge [sflag:s4], $0x0  }
0x19: {  	s7 =	sld [smem:$0x3F9A]  }
0x1a: {  	s8 =	sadd.s32 $0xFFFFE003, lr  }
0x1b: {  	s9 =	sadd.s32 $0xFFFFFEF7, lr;
	s5 =	simm.s32 $0xFFFFFFFF;
	p2 =	slt.u32 s8, $0xFFFFF086  }
0x1c: {  	p1 =	slt.u32 s9, $0xF7A;
	s5 =	simm.s32 @!p2 $0x0  }
0x1d: {  	s5 =	simm.s32 @p1 $0x1;
	p0 =	seq.s32 s7, s2  }
0x1e: {  	s7 =	smul.u32 @!p0 $0xF7A, s2;
	p2 =	seq.s32 @!p0 s5, $0x0  }
0x1f: {  	s9 =	smul.u32 $0xF7A, s1;
	s8 =	simm.s32 @!p0 $0x1BF5;
	p2 =	por !p2, p0  }
0x20: {  	[sflag:s8] =	ssyncset.s32 @!p0 $0xFFFFF086;
	s6 =	sadd.s32 @!p0 s3, s7;
	s7 =	simm.s32 @!p0 $0x108  }
0x21: {  	s3 =	sadd.s32 s3, s9;
	s6 =	sadd.s32 @!p0 $0x88, s6;
	s7 =	simm.s32 @p2 $0x1082  }
0x22: {  	[simem:s7], [sflag:s8] =	dma.local @!p0 [hbm:s6], $0xF7A  }
0x23: {  	s9 =	sor.u32 $0xD0000000, s2;
	s6 =	simm.s32 $0x108;
	_ =	swait.ge @!p0 [sflag:s8], $0x0  }
0x24: {  	s3 =	sadd.s32 $0x88, s3;
	s6 =	simm.s32 @!p1 $0x1082;
	[sflag:s4] =	ssyncset.s32 $0xFFFFF086  }
0x25: {  	[simem:s6], [sflag:s4] =	dma.local [hbm:s3], $0xF7A  }
0x26: {  	[smem:$0x3F9A] =	sst s1;
	(tag) =	ssettag s2;
	_ =	strace s9  }
0x27: {  	s1 =	sld [smem:$0x3FAA]  }
0x28: {  	s2 =	sld [smem:$0x3FAB]  }
0x29: {  	s4 =	sld [smem:$0x3FAD]  }
0x2a: {  	p0 =	seq.s32 s5, $0x0;
	s5 =	sld [smem:$0x3FAE]  }
0x2b: {  	s6 =	sld [smem:$0x3FAF]  }
0x2c: {  	s7 =	sld [smem:$0x3FB0]  }
0x2d: {  	s3 =	simm.s32 $0x108;
	s8 =	sld [smem:$0x3FB1]  }
0x2e: {  	s3 =	simm.s32 @!p0 $0x1082;
	s9 =	sld [smem:$0x3FB2]  }
0x2f: {  	lr =	sadd.s32 s0, s3;
	s0 =	sld [smem:$0x3FA9]  }
0x30: {  	s3 =	sld [smem:$0x3FAC]  }
0x31: {  	[smem:$0x3FB5] =	sst s10  }
0x32: {  	s10 =	sld [smem:$0x3FB3];
	_ =	sdelay $0x3  }
0x33: {  	p0 =	seq.s32 s10, $0x1;
	s10 =	sld [smem:$0x3FB5];
	_ =	sdelay $0x3  }
0x34: {  	[smem:$0x3FB5] =	sst s10  }
0x35: {  	s10 =	sld [smem:$0x3FB4];
	_ =	sdelay $0x3  }
0x36: {  	p1 =	seq.s32 s10, $0x1;
	s10 =	sld [smem:$0x3FB5];
	_ =	sdelay $0x3  }
0x37: {  	[smem:$0x3FB5] =	sst s10  }
0x38: {  	s10 =	sld [smem:$0x3FB6]  }
0x39: {  	_ = 	snop;
	(pc) =	sbr.ind lr, $3  }
0x3a: {  	_ = 	snop  }
0x3b: {  	_ = 	snop  }
0x3c: {  	p2 =	seq.s32 s10, $0x1;
	s10 =	sld [smem:$0x3FB5]  }
0x3d: {  	_ =	shalt  }
0x3e: {  	_ =	shalt  }
0x3f: {  	_ =	shalt  }
0x40: {  	_ =	shalt  }
0x41: {  	_ =	shalt  }
0x42: {  	_ =	shalt  }
0x43: {  	_ =	shalt  }
0x44: {  	_ =	shalt  }
0x45: {  	_ =	shalt  }
0x46: {  	_ =	shalt  }
0x47: {  	_ =	shalt  }
0x48: {  	_ =	shalt  }
0x49: {  	_ =	shalt  }
0x4a: {  	_ =	shalt  }
0x4b: {  	_ =	shalt  }
0x4c: {  	_ =	shalt  }
0x4d: {  	_ =	shalt  }
0x4e: {  	_ =	shalt  }
0x4f: {  	_ =	shalt  }
0x50: {  	_ =	shalt  }
0x51: {  	_ =	shalt  }
0x52: {  	_ =	shalt  }
0x53: {  	_ =	shalt  }
0x54: {  	_ =	shalt  }
0x55: {  	_ =	shalt  }
0x56: {  	_ =	shalt  }
0x57: {  	_ =	shalt  }
0x58: {  	_ =	shalt  }
0x59: {  	_ =	shalt  }
0x5a: {  	_ =	shalt  }
0x5b: {  	_ =	shalt  }
0x5c: {  	_ =	shalt  }
0x5d: {  	_ =	shalt  }
0x5e: {  	_ =	shalt  }
0x5f: {  	_ =	shalt  }
0x60: {  	_ =	shalt  }
0x61: {  	_ =	shalt  }
0x62: {  	_ =	shalt  }
0x63: {  	_ =	shalt  }
0x64: {  	_ =	shalt  }
0x65: {  	_ =	shalt  }
0x66: {  	_ =	shalt  }
0x67: {  	_ =	shalt  }
0x68: {  	_ =	shalt  }
0x69: {  	_ =	shalt  }
0x6a: {  	_ =	shalt  }
0x6b: {  	_ =	shalt  }
0x6c: {  	_ =	shalt  }
0x6d: {  	_ =	shalt  }
0x6e: {  	_ =	shalt  }
0x6f: {  	_ =	shalt  }
0x70: {  	_ =	shalt  }
0x71: {  	_ =	shalt  }
0x72: {  	_ =	shalt  }
0x73: {  	_ =	shalt  }
0x74: {  	_ =	shalt  }
0x75: {  	_ =	shalt  }
0x76: {  	_ =	shalt  }
0x77: {  	_ =	shalt  }
0x78: {  	_ =	shalt  }
0x79: {  	_ =	shalt  }
0x7a: {  	_ =	shalt  }
0x7b: {  	_ =	shalt  }
0x7c: {  	_ =	shalt  }
0x7d: {  	_ =	shalt  }
0x7e: {  	_ =	shalt  }
0x7f: {  	_ =	shalt  }
0x80: {  	_ =	shalt  }
0x81: {  	_ =	shalt  }
0x82: {  	_ =	shalt  }
0x83: {  	_ =	shalt  }
0x84: {  	_ =	shalt  }
0x85: {  	_ =	shalt  }
0x86: {  	_ =	shalt  }
0x87: {  	_ =	shalt  }
.Lfunc_end0:
.L_simem_size_0:
called_computation.2_lowered:
.L_overlay_start_0:
0x88: {  	s2 =	sld [smem:$0x3FD9]  }
0x89: {  	s3 =	sld [smem:$0x3FFE];
	_ =	sdelay $0x1  }
0x8a: {  	s1 =	srdreg.scid  }
0x8b: {  	s0 =	sand.u32 $0x1, s1  }
0x8c: {  	s16 =	sshll.u32 s0, $0xA;
	s2 =	sadd.s32 s3, s2  }
0x8d: {  	s2 =	sadd.s32 s2, s16  }
0x8e: {  	[smem:$0x3FC1] =	sst s2  }
0x8f: {  	_ = 	snop  }
0x90: {  	(tm) =	ssettm $0x1  }
0x91: {  	s17 =	sld [smem:$0x3FFB];
	_ =	sdelay $0x3  }
0x92: {  	_ =	strace s17  }
0x93: {  	s2 =	sld [smem:$0x3FFC];
	_ =	sdelay $0x3  }
0x94: {  	_ =	strace s2  }
0x95: {  	s2 =	sld [smem:$0x3FFD];
	_ =	sdelay $0x3  }
0x96: {  	_ =	strace s2  }
0x97: {  	_ =	strace $0x8FFFFFFF  }
0x98: {  	s18 =	sld [smem:$0x3FDB];
	_ =	sdelay $0x1  }
0x99: {  	s19 =	simm.s32 $_scs_section_size  }
0x9a: {  	s4 =	simm.s32 $_size__tile_overlayer_lowered;
	s5 =	simm.s32 $_tile_overlayer_lowered  }
0x9b: {  	s22 =	simm.s32 $0x1BFF;
	s21 =	sshll.u32 s5, $0x1;
	s2 =	sadd.s32 s19, s18  }
0x9c: {  	s6 =	simm.s32 $0x0;
	s20 =	sshll.u32 s4, $0x1;
	s4 =	sadd.s32 s21, s2  }
0x9d: {  	[timem:s6], [sflag:s22] =	dma.local [hbm:s4], s20  }
0x9e: {  	_ =	swait.ge [sflag:s22], s20  }
0x9f: {  	s3 =	ssub.s32 $0x0, s20;
	[sflag:s22] =	ssyncset.done $0x0  }
0xa0: {  	[sflag:s22] =	ssyncadd.s32 s3;
	_ =	sdelay $0x1  }
0xa1: {  	s23 =	simm.s32 $0x1B8B  }
0xa2: {  	_ =	swait.ge [sflag:s23], $0x1  }
0xa3: {  	[sflag:s23] =	ssyncset.done $0x0  }
0xa4: {  	s25 =	simm.s32 $0x1B8E;
	s24 =	sld [smem:$0x3FFE];
	[sflag:s23] =	ssyncadd.s32 $0xFFFFFFFF  }
0xa5: {  	s26 =	simm.s32 $execute0_lowered;
	[smem:$0x3FD2] =	sst s25  }
0xa6: {  	s4 =	sshll.u32 s26, $0x1;
	_ =	strace $0x8000004C;
	[dreg:$0x1] =	wrdreg $0xFFFFFFFF  }
0xa7: {  	s28 =	simm.s32 $_size_execute0_lowered;
	s2 =	sadd.s32 s2, s4;
	[dreg:$0x0] =	wrdreg $0x0  }
0xa8: {  	s4 =	sshll.u32 s28, $0x1;
	[dreg:$0x2] =	wrdreg s2  }
0xa9: {  	[dreg:$0x3] =	wrdreg s4  }
0xaa: {  	[dreg:$0x4] =	wrdreg $0xC0  }
0xab: {  	_ =	task [dreg:s6], $0x5FFFF  }
0xac: {  	[dreg:$0x1] =	wrdreg $0xFFFFFFFF  }
0xad: {  	[dreg:$0x0] =	wrdreg $0x60  }
0xae: {  	[dreg:$0x2] =	wrdreg s24  }
0xaf: {  	[dreg:$0x3] =	wrdreg $0xC0000  }
0xb0: {  	[dreg:$0x4] =	wrdreg $0x70000  }
0xb1: {  	[dreg:$0x5] =	wrdreg $0x9  }
0xb2: {  	_ =	task.clear_ibuf [dreg:s6], $0x6FFFF;
	_ =	strace $0x9000004C  }
0xb3: {  	s29 =	simm.s32 $0x9;
	_ =	strace $0x8000004E  }
0xb4: {  	_ =	swait.ge [sflag:s29], $0x1  }
0xb5: {  	[sflag:s29] =	ssyncadd.s32 $0xFFFFFFFF  }
0xb6: {  	_ =	strace $0x9000004E  }
0xb7: {  	_ =	sfence  }
0xb8: {  	s30 =	sld [smem:$0x0];
	_ =	sdelay $0x2  }
0xb9: {  	s31 =	sshll.u32 s1, $0xD;
	s1 =	sshrl.u32 s1, $0x2  }
0xba: {  	s3 =	sand.u32 $0x4000, s31;
	s1 =	sadd.s32 s1, s30  }
0xbb: {  	s0 =	sor.u32 s3, s0;
	s1 =	sshll.u32 s1, $0x11  }
0xbc: {  	s0 =	sor.u32 s1, s0  }
0xbd: {  	s0 =	sadd.s32 $0x8F2B, s0  }
0xbe: {  	[sflag:s0] =	ssyncadd.remote.s32 $0x1  }
0xbf: {  	_ =	sfence.sel $0xFFFF  }
0xc0: {  	[dreg:$0x0] =	wrdreg $0xFFFFFFFF;
	(pc) =	sbr.abs _section_cstart, $3  }
0xc1: {  	[dreg:$0x1] =	wrdreg $0xFFFFFFFF  }
0xc2: {  	_ =	task.clear_ibuf [dreg:s6], $0x2FFFF;
	_ =	strace $0x9FFFFFFF  }
0xc3: {  	(tm) =	ssettm $0x7FFFFFFF  }
tec
execute0_lowered:
.L_overlay_start_1:
0x0: {  	(tag) =	ssettag $0x1  }
0x1: {  	s5 =	rddreg [dreg:$0x0]  }
0x2: {  	s2 =	rddreg [dreg:$0x1]  }
0x3: {  	s3 =	rddreg [dreg:$0x2]  }
0x4: {  	s0 =	rddreg [dreg:$0x3]  }
0x5: {  	s1 =	stileid.u32;
	s6 =	srdreg.scid  }
0x6: {  	s4 =	simm.s32 $0x0;
	s15 =	simm.s32 $0x80;
	s16 =	simm.s32 $0x5000  }
0x7: {  	s17 =	simm.s32 $0x6000;
	s18 =	simm.s32 $0x1;
	s19 =	simm.s32 $0x2  }
0x8: {  	s20 =	simm.s32 $0x4F00;
	s21 =	simm.s32 $0x4F80;
	s22 =	simm.s32 $0x0  }
0x9: {  	s8 =	smul.u32 $0x5000, s1;
	s6 =	sand.u32 $0x1, s6;
	[smem:$0x7FF] =	sst s4  }
0xa: {  	s7 =	sshll.u32 s1, $0x1;
	s12 =	sshll.u32 s1, $0x6;
	s9 =	smul.u32 $0x50000, s6  }
0xb: {  	_ =	strace $0x8000004D;
	s7 =	sor.u32 s6, s7;
	s6 =	ssub.s32 $0x2, s6  }
0xc: {  	s12 =	sor.u32 $0x1C03, s12;
	s10 =	sshrl.u32 s8, $0x3;
	s7 =	smul.u32 $0x500, s7  }
0xd: {  	s11 =	sshrl.u32 s6, $0x1;
	s13 =	sadd.s32 s8, s2;
	s14 =	sadd.s32 s8, s3  }
0xe: {  	s9 =	sadd.s32 s8, s9;
	s10 =	sadd.s32 s10, s5;
	s11 =	ssub.s32 s6, s11  }
0xf: {  	s13 =	sshrl.u32 s13, $0x3;
	s9 =	sshrl.u32 s9, $0x3;
	s7 =	sadd.s32 s7, s5  }
0x10: {  	s14 =	sshrl.u32 s14, $0x3;
	s9 =	sadd.s32 s9, s5;
	s5 =	sadd.s32 $0x14C00, s7  }
0x11: {  	s6 =	sadd.s32 $0xC00, s7;
	s7 =	sadd.s32 $0xAC00, s10;
	s10 =	simm.s32 $0x3  }
0x12: {  	s8 =	sadd.s32 $0xC8E00, s9;
	s9 =	smax.u32 s11, $0x1;
	s11 =	simm.s32 $0x2800  }
.LBB2_1:
0x13: {  	[tilespmem:s4], [sflag:$0x3] =	stream.linear.gather [hbm4b:s5+s4], $0x2800, $0x38;
	[tilespmem:$0x11000] =	vst v63  }
0x14: {  	_ =	swait.ge [sflag:s10], $0x2800  }
0x15: {  	[sflag:s10] =	ssyncset.done $0x0  }
0x16: {  	[sflag:s10] =	ssyncadd.s32 $0xFFFFD800  }
0x17: {  	[tilespmem:s11], [sflag:$0x3] =	stream.linear.gather [hbm4b:s6+s4], $0x2800, $0x38;
	[tilespmem:$0x11000] =	vst v63  }
0x18: {  	_ =	swait.ge [sflag:s10], $0x2800  }
0x19: {  	[sflag:s10] =	ssyncset.done $0x0  }
0x1a: {  	[sflag:s10] =	ssyncadd.s32 $0xFFFFD800  }
0x1b: {  	[spmem:s13], [sflag:s12] =	dma.local [hbm:s7], $0xA00  }
0x1c: {  	_ =	swait.ge [sflag:s10], $0xA00  }
0x1d: {  	[sflag:s10] =	ssyncset.done $0x0  }
0x1e: {  	[sflag:s10] =	ssyncadd.s32 $0xFFFFF600  }
0x1f: {  	[spmem:s14], [sflag:s12] =	dma.local [hbm:s7], $0xA00  }
0x20: {  	_ =	swait.ge [sflag:s10], $0xA00  }
0x21: {  	[sflag:s10] =	ssyncset.done $0x0  }
0x22: {  	[sflag:s10] =	ssyncadd.s32 $0xFFFFF600  }
0x23: {  	[bflag:$0x0] =	sbarrier.arrive $0xFFFF  }
0x24: {  	[tilespmem:s16], [sflag:$0x1] =	stream.indirect.gather [spmem:s2], $0x20, s4, s15, $0xb8;
	[tilespmem:$0x11000] =	vst v63  }
0x25: {  	_ = 	snop  }
0x26: {  	[tilespmem:s17], [sflag:$0x2] =	stream.indirect.gather [spmem:s2], $0x20, s15, s15, $0xb8;
	[tilespmem:$0x11000] =	vst v63  }
0x27: {  	_ =	swait.ge [sflag:s18], $0x1000  }
0x28: {  	[sflag:s18] =	ssyncset.done $0x0  }
0x29: {  	s23 =	simm.s32 $0x2800;
	[sflag:s18] =	ssyncadd.s32 $0xFFFFF000  }
0x2a: {  	[spmem:s3] =	stream.indirect.scatter.add.f32 [tilespmem:s16], [sflag:$0x3], $0x20, s23, s15, $0xb8;
	[tilespmem:$0x11000] =	vst v63  }
0x2b: {  	_ =	swait.ge [sflag:s10], $0x1000  }
0x2c: {  	[sflag:s10] =	ssyncset.done $0x0  }
0x2d: {  	s30 =	simm.s32 $0x100;
	[sflag:s10] =	ssyncadd.s32 $0xFFFFF000  }
0x2e: {  	[tilespmem:s16], [sflag:$0x1] =	stream.indirect.gather [spmem:s2], $0x20, s30, s15, $0xb8;
	[tilespmem:$0x11000] =	vst v63  }
0x2f: {  	_ =	swait.ge [sflag:s19], $0x1000  }
0x30: {  	[sflag:s19] =	ssyncset.done $0x0  }
0x31: {  	s31 =	simm.s32 $0x2880;
	[sflag:s19] =	ssyncadd.s32 $0xFFFFF000  }
0x32: {  	[spmem:s3] =	stream.indirect.scatter.add.f32 [tilespmem:s17], [sflag:$0x3], $0x20, s31, s15, $0xb8;
	[tilespmem:$0x11000] =	vst v63  }
0x33: {  	_ =	swait.ge [sflag:s10], $0x1000  }
0x34: {  	[sflag:s10] =	ssyncset.done $0x0  }
0x35: {  	s24 =	simm.s32 $0x180;
	s23 =	simm.s32 $0x400;
	[sflag:s10] =	ssyncadd.s32 $0xFFFFF000  }
.LBB2_2:
0x36: {  	[tilespmem:s17], [sflag:$0x2] =	stream.indirect.gather [spmem:s2], $0x20, s24, s15, $0xb8;
	[tilespmem:$0x11000] =	vst v63  }
0x37: {  	s24 =	smov.u32 s23  }
0x38: {  	p0 =	sne.s32 s23, $0x9800;
	s23 =	sadd.s32 $0x400, s23;
	_ =	swait.ge [sflag:s18], $0x1000  }
0x39: {  	s24 =	sshra.s32 s24, $0x2;
	[sflag:s18] =	ssyncset.done $0x0  }
0x3a: {  	s25 =	sadd.s32 $0x2800, s24;
	[sflag:s18] =	ssyncadd.s32 $0xFFFFF000  }
0x3b: {  	[spmem:s3] =	stream.indirect.scatter.add.f32 [tilespmem:s16], [sflag:$0x3], $0x20, s25, s15, $0xb8;
	[tilespmem:$0x11000] =	vst v63  }
0x3c: {  	_ =	swait.ge [sflag:s10], $0x1000  }
0x3d: {  	[sflag:s10] =	ssyncset.done $0x0  }
0x3e: {  	s25 =	sadd.s32 $0x100, s24;
	[sflag:s10] =	ssyncadd.s32 $0xFFFFF000  }
0x3f: {  	[tilespmem:s16], [sflag:$0x1] =	stream.indirect.gather [spmem:s2], $0x20, s25, s15, $0xb8;
	[tilespmem:$0x11000] =	vst v63  }
0x40: {  	_ =	swait.ge [sflag:s19], $0x1000  }
0x41: {  	[sflag:s19] =	ssyncset.done $0x0  }
.Ltmp0:
0x42: {  	s25 =	sadd.s32 $0x2880, s24;
	[sflag:s19] =	ssyncadd.s32 $0xFFFFF000;
	(pc) =	sbr.rel @p0 .LBB2_2-.Ltmp0, $4  }
0x43: {  	[spmem:s3] =	stream.indirect.scatter.add.f32 [tilespmem:s17], [sflag:$0x3], $0x20, s25, s15, $0xb8;
	[tilespmem:$0x11000] =	vst v63  }
0x44: {  	_ =	swait.ge [sflag:s10], $0x1000  }
0x45: {  	[sflag:s10] =	ssyncset.done $0x0  }
0x46: {  	s24 =	sadd.s32 $0x180, s24;
	[sflag:s10] =	ssyncadd.s32 $0xFFFFF000  }
0x47: {  	[tilespmem:s17], [sflag:$0x2] =	stream.indirect.gather [spmem:s2], $0x20, s24, s15, $0xb8;
	[tilespmem:$0x11000] =	vst v63  }
0x48: {  	_ =	swait.ge [sflag:s18], $0x1000  }
0x49: {  	[sflag:s18] =	ssyncset.done $0x0  }
0x4a: {  	[sflag:s18] =	ssyncadd.s32 $0xFFFFF000  }
0x4b: {  	[spmem:s3] =	stream.indirect.scatter.add.f32 [tilespmem:s16], [sflag:$0x3], $0x20, s20, s15, $0xb8;
	[tilespmem:$0x11000] =	vst v63  }
0x4c: {  	_ =	swait.ge [sflag:s10], $0x1000  }
0x4d: {  	[sflag:s10] =	ssyncset.done $0x0  }
0x4e: {  	[sflag:s10] =	ssyncadd.s32 $0xFFFFF000  }
0x4f: {  	_ =	swait.ge [sflag:s19], $0x1000  }
0x50: {  	[sflag:s19] =	ssyncset.done $0x0  }
0x51: {  	[sflag:s19] =	ssyncadd.s32 $0xFFFFF000  }
0x52: {  	[spmem:s3] =	stream.indirect.scatter.add.f32 [tilespmem:s17], [sflag:$0x3], $0x20, s21, s15, $0xb8;
	[tilespmem:$0x11000] =	vst v63  }
0x53: {  	_ =	swait.ge [sflag:s10], $0x1000  }
0x54: {  	s22 =	sadd.s32 $0x1, s22;
	[sflag:s10] =	ssyncset.done $0x0  }
0x55: {  	p0 =	sne.s32 s22, s9;
	[sflag:s10] =	ssyncadd.s32 $0xFFFFF000  }
.Ltmp1:
0x56: {  	[bflag:$0x0] =	sbarrier.arrive $0xFFFF;
	(pc) =	sbr.rel @p0 .LBB2_1-.Ltmp1, $4  }
0x57: {  	[hbm:s8], [sflag:s12] =	dma.local [spmem:s14], $0xA00  }
0x58: {  	_ =	swait.ge [sflag:s10], $0xA00  }
0x59: {  	[sflag:s10] =	ssyncset.done $0x0  }
0x5a: {  	[sflag:s10] =	ssyncadd.s32 $0xFFFFF600  }
0x5b: {  	_ =	sfence.sel $0x180000  }
0x5c: {  	[bflag:$0x0] =	sbarrier.arrive $0xFFFF  }
0x5d: {  	p0 =	sne.s32 s1, $0x0;
	_ =	strace $0x9000004D  }
0x5e: {  	s0 =	sadd.s32 @!p0 $0x100000, s0;
	[bflag:$0x2] =	sbarrier.arrive $0xFFFF  }
0x5f: {  	[sflag:s0] =	ssyncadd.tile.s32 @!p0 $0x1;
	_ =	shalt  }
.Lfunc_end2:
_tile_overlayer_lowered:
.L_overlay_start_2:
0x60: {  	(tag) =	ssettag $0x2  }
0x61: {  	s0 =	rddreg [dreg:$0x0];
	s2 =	stileid.u32  }
0x62: {  	s1 =	rddreg [dreg:$0x1];
	p0 =	sne.s32 s2, $0x0  }
0x63: {  	s3 =	rddreg [dreg:$0x2];
	[bflag:$0x3] =	sbarrier.arrive $0xFFFF;
	s2 =	simm.s32 @!p0 $0x1C03  }
0x64: {  	[timem:s3], [sflag:s2] =	dma.local @!p0 [hbm:s0], s1  }
0x65: {  	s0 =	simm.s32 @!p0 $0x3  }
0x66: {  	_ =	swait.ge @!p0 [sflag:s0], s1  }
0x67: {  	s1 =	ssub.s32 @!p0 $0x0, s1;
	[sflag:s0] =	ssyncset.done @!p0 $0x0  }
0x68: {  	[sflag:s0] =	ssyncadd.s32 @!p0 s1  }
0x69: {  	[bflag:$0x3] =	sbarrier.arrive $0xFFFF  }
0x6a: {  	_ =	shalt  }

// kernel: _run.8.cloned.1.call-start
scs
__scs_entry_jumppad:
0x0: {  	(pc) =	sbr.rel $0x88, $3  }
0x1: {  	(tag) =	ssettag $0x0;
	lr =	simm.s32 $0x1  }
0x2: {  	[smem:$0x3F9A] =	sst lr;
	_ =	strace $0xD0000000  }
0x3: {  	_ = 	snop  }
0x4: {  	_ = 	snop  }
0x5: {  	_ = 	snop  }
0x6: {  	_ = 	snop  }
0x7: {  	_ = 	snop  }
__scs_overlays_trampoline_lowered:
0x8: {  	[smem:$0x3FA9] =	sst s0  }
0x9: {  	[smem:$0x3FAA] =	sst s1  }
0xa: {  	[smem:$0x3FAB] =	sst s2  }
0xb: {  	[smem:$0x3FAC] =	sst s3  }
0xc: {  	[smem:$0x3FAD] =	sst s4  }
0xd: {  	[smem:$0x3FAE] =	sst s5  }
0xe: {  	[smem:$0x3FAF] =	sst s6  }
0xf: {  	[smem:$0x3FB0] =	sst s7  }
0x10: {  	[smem:$0x3FB1] =	sst s8  }
0x11: {  	[smem:$0x3FB2] =	sst s9;
	s0 =	simm.s32 @!p0 $0x0  }
0x12: {  	s1 =	sld [smem:$0x3F98];
	s0 =	simm.s32 @p0 $0x1  }
0x13: {  	[smem:$0x3FB3] =	sst s0;
	s0 =	simm.s32 @!p1 $0x0  }
0x14: {  	s2 =	sld [smem:$0x3F97];
	s0 =	simm.s32 @p1 $0x1  }
0x15: {  	[smem:$0x3FB4] =	sst s0;
	s0 =	simm.s32 @!p2 $0x0  }
0x16: {  	s3 =	sld [smem:$0x3FDB];
	s0 =	simm.s32 @p2 $0x1  }
0x17: {  	s4 =	simm.s32 $0x1BF5;
	[smem:$0x3FB6] =	sst s0  }
0x18: {  	s0 =	sld [smem:$0x3F99];
	_ =	swait.ge [sflag:s4], $0x0  }
0x19: {  	s7 =	sld [smem:$0x3F9A]  }
0x1a: {  	s8 =	sadd.s32 $0xFFFFE003, lr  }
0x1b: {  	s9 =	sadd.s32 $0xFFFFFEF7, lr;
	s5 =	simm.s32 $0xFFFFFFFF;
	p2 =	slt.u32 s8, $0xFFFFF086  }
0x1c: {  	p1 =	slt.u32 s9, $0xF7A;
	s5 =	simm.s32 @!p2 $0x0  }
0x1d: {  	s5 =	simm.s32 @p1 $0x1;
	p0 =	seq.s32 s7, s2  }
0x1e: {  	s7 =	smul.u32 @!p0 $0xF7A, s2;
	p2 =	seq.s32 @!p0 s5, $0x0  }
0x1f: {  	s9 =	smul.u32 $0xF7A, s1;
	s8 =	simm.s32 @!p0 $0x1BF5;
	p2 =	por !p2, p0  }
0x20: {  	[sflag:s8] =	ssyncset.s32 @!p0 $0xFFFFF086;
	s6 =	sadd.s32 @!p0 s3, s7;
	s7 =	simm.s32 @!p0 $0x108  }
0x21: {  	s3 =	sadd.s32 s3, s9;
	s6 =	sadd.s32 @!p0 $0x88, s6;
	s7 =	simm.s32 @p2 $0x1082  }
0x22: {  	[simem:s7], [sflag:s8] =	dma.local @!p0 [hbm:s6], $0xF7A  }
0x23: {  	s9 =	sor.u32 $0xD0000000, s2;
	s6 =	simm.s32 $0x108;
	_ =	swait.ge @!p0 [sflag:s8], $0x0  }
0x24: {  	s3 =	sadd.s32 $0x88, s3;
	s6 =	simm.s32 @!p1 $0x1082;
	[sflag:s4] =	ssyncset.s32 $0xFFFFF086  }
0x25: {  	[simem:s6], [sflag:s4] =	dma.local [hbm:s3], $0xF7A  }
0x26: {  	[smem:$0x3F9A] =	sst s1;
	(tag) =	ssettag s2;
	_ =	strace s9  }
0x27: {  	s1 =	sld [smem:$0x3FAA]  }
0x28: {  	s2 =	sld [smem:$0x3FAB]  }
0x29: {  	s4 =	sld [smem:$0x3FAD]  }
0x2a: {  	p0 =	seq.s32 s5, $0x0;
	s5 =	sld [smem:$0x3FAE]  }
0x2b: {  	s6 =	sld [smem:$0x3FAF]  }
0x2c: {  	s7 =	sld [smem:$0x3FB0]  }
0x2d: {  	s3 =	simm.s32 $0x108;
	s8 =	sld [smem:$0x3FB1]  }
0x2e: {  	s3 =	simm.s32 @!p0 $0x1082;
	s9 =	sld [smem:$0x3FB2]  }
0x2f: {  	lr =	sadd.s32 s0, s3;
	s0 =	sld [smem:$0x3FA9]  }
0x30: {  	s3 =	sld [smem:$0x3FAC]  }
0x31: {  	[smem:$0x3FB5] =	sst s10  }
0x32: {  	s10 =	sld [smem:$0x3FB3];
	_ =	sdelay $0x3  }
0x33: {  	p0 =	seq.s32 s10, $0x1;
	s10 =	sld [smem:$0x3FB5];
	_ =	sdelay $0x3  }
0x34: {  	[smem:$0x3FB5] =	sst s10  }
0x35: {  	s10 =	sld [smem:$0x3FB4];
	_ =	sdelay $0x3  }
0x36: {  	p1 =	seq.s32 s10, $0x1;
	s10 =	sld [smem:$0x3FB5];
	_ =	sdelay $0x3  }
0x37: {  	[smem:$0x3FB5] =	sst s10  }
0x38: {  	s10 =	sld [smem:$0x3FB6]  }
0x39: {  	_ = 	snop;
	(pc) =	sbr.ind lr, $3  }
0x3a: {  	_ = 	snop  }
0x3b: {  	_ = 	snop  }
0x3c: {  	p2 =	seq.s32 s10, $0x1;
	s10 =	sld [smem:$0x3FB5]  }
0x3d: {  	_ =	shalt  }
0x3e: {  	_ =	shalt  }
0x3f: {  	_ =	shalt  }
0x40: {  	_ =	shalt  }
0x41: {  	_ =	shalt  }
0x42: {  	_ =	shalt  }
0x43: {  	_ =	shalt  }
0x44: {  	_ =	shalt  }
0x45: {  	_ =	shalt  }
0x46: {  	_ =	shalt  }
0x47: {  	_ =	shalt  }
0x48: {  	_ =	shalt  }
0x49: {  	_ =	shalt  }
0x4a: {  	_ =	shalt  }
0x4b: {  	_ =	shalt  }
0x4c: {  	_ =	shalt  }
0x4d: {  	_ =	shalt  }
0x4e: {  	_ =	shalt  }
0x4f: {  	_ =	shalt  }
0x50: {  	_ =	shalt  }
0x51: {  	_ =	shalt  }
0x52: {  	_ =	shalt  }
0x53: {  	_ =	shalt  }
0x54: {  	_ =	shalt  }
0x55: {  	_ =	shalt  }
0x56: {  	_ =	shalt  }
0x57: {  	_ =	shalt  }
0x58: {  	_ =	shalt  }
0x59: {  	_ =	shalt  }
0x5a: {  	_ =	shalt  }
0x5b: {  	_ =	shalt  }
0x5c: {  	_ =	shalt  }
0x5d: {  	_ =	shalt  }
0x5e: {  	_ =	shalt  }
0x5f: {  	_ =	shalt  }
0x60: {  	_ =	shalt  }
0x61: {  	_ =	shalt  }
0x62: {  	_ =	shalt  }
0x63: {  	_ =	shalt  }
0x64: {  	_ =	shalt  }
0x65: {  	_ =	shalt  }
0x66: {  	_ =	shalt  }
0x67: {  	_ =	shalt  }
0x68: {  	_ =	shalt  }
0x69: {  	_ =	shalt  }
0x6a: {  	_ =	shalt  }
0x6b: {  	_ =	shalt  }
0x6c: {  	_ =	shalt  }
0x6d: {  	_ =	shalt  }
0x6e: {  	_ =	shalt  }
0x6f: {  	_ =	shalt  }
0x70: {  	_ =	shalt  }
0x71: {  	_ =	shalt  }
0x72: {  	_ =	shalt  }
0x73: {  	_ =	shalt  }
0x74: {  	_ =	shalt  }
0x75: {  	_ =	shalt  }
0x76: {  	_ =	shalt  }
0x77: {  	_ =	shalt  }
0x78: {  	_ =	shalt  }
0x79: {  	_ =	shalt  }
0x7a: {  	_ =	shalt  }
0x7b: {  	_ =	shalt  }
0x7c: {  	_ =	shalt  }
0x7d: {  	_ =	shalt  }
0x7e: {  	_ =	shalt  }
0x7f: {  	_ =	shalt  }
0x80: {  	_ =	shalt  }
0x81: {  	_ =	shalt  }
0x82: {  	_ =	shalt  }
0x83: {  	_ =	shalt  }
0x84: {  	_ =	shalt  }
0x85: {  	_ =	shalt  }
0x86: {  	_ =	shalt  }
0x87: {  	_ =	shalt  }
.Lfunc_end0:
.L_simem_size_0:
called_computation_lowered:
.L_overlay_start_0:
0x88: {  	s2 =	sld [smem:$0x3FD9]  }
0x89: {  	s3 =	sld [smem:$0x3FFE];
	_ =	sdelay $0x1  }
0x8a: {  	s1 =	srdreg.scid  }
0x8b: {  	s0 =	sand.u32 $0x1, s1  }
0x8c: {  	s17 =	sshll.u32 s0, $0xA;
	s2 =	sadd.s32 s3, s2  }
0x8d: {  	s2 =	sadd.s32 s2, s17  }
0x8e: {  	[smem:$0x3FC1] =	sst s2  }
0x8f: {  	_ = 	snop  }
0x90: {  	s2 =	sld [smem:$0x3FD0];
	(tm) =	ssettm $0x1  }
0x91: {  	s18 =	sld [smem:$0x3FFB];
	_ =	sdelay $0x3  }
0x92: {  	_ =	strace s18  }
0x93: {  	s3 =	sld [smem:$0x3FFC];
	_ =	sdelay $0x3  }
0x94: {  	_ =	strace s3  }
0x95: {  	s3 =	sld [smem:$0x3FFD];
	_ =	sdelay $0x3  }
0x96: {  	_ =	strace s3  }
0x97: {  	_ =	strace $0x8FFFFFFF  }
0x98: {  	s19 =	sld [smem:$0x3FDB];
	_ =	sdelay $0x1  }
0x99: {  	s4 =	simm.s32 $_scs_section_size  }
0x9a: {  	s5 =	simm.s32 $_size__tile_overlayer_lowered;
	s6 =	simm.s32 $_tile_overlayer_lowered  }
0x9b: {  	s22 =	simm.s32 $0x1BFF;
	s21 =	sshll.u32 s6, $0x1;
	s3 =	sadd.s32 s4, s19  }
0x9c: {  	s7 =	simm.s32 $0x0;
	s20 =	sshll.u32 s5, $0x1;
	s5 =	sadd.s32 s21, s3  }
0x9d: {  	[timem:s7], [sflag:s22] =	dma.local [hbm:s5], s20  }
0x9e: {  	_ =	swait.ge [sflag:s22], s20  }
0x9f: {  	s4 =	ssub.s32 $0x0, s20;
	[sflag:s22] =	ssyncset.done $0x0  }
0xa0: {  	[sflag:s22] =	ssyncadd.s32 s4;
	_ =	sdelay $0x1  }
0xa1: {  	s23 =	simm.s32 $0x1B8B  }
0xa2: {  	_ =	swait.ge [sflag:s23], $0x1  }
0xa3: {  	[sflag:s23] =	ssyncset.done $0x0  }
0xa4: {  	s25 =	simm.s32 $0x1B8E;
	s24 =	sld [smem:$0x3FFE];
	[sflag:s23] =	ssyncadd.s32 $0xFFFFFFFF  }
0xa5: {  	s26 =	simm.s32 $execute0_lowered;
	[smem:$0x3FD2] =	sst s25  }
0xa6: {  	s5 =	sshll.u32 s26, $0x1;
	_ =	strace $0x80000046;
	[dreg:$0x1] =	wrdreg $0xFFFFFFFF  }
0xa7: {  	s28 =	simm.s32 $_size_execute0_lowered;
	s3 =	sadd.s32 s3, s5;
	[dreg:$0x0] =	wrdreg $0x0  }
0xa8: {  	s5 =	sshll.u32 s28, $0x1;
	[dreg:$0x2] =	wrdreg s3  }
0xa9: {  	[dreg:$0x3] =	wrdreg s5  }
0xaa: {  	[dreg:$0x4] =	wrdreg $0xC0  }
0xab: {  	_ =	task [dreg:s7], $0x5FFFF  }
0xac: {  	[dreg:$0x1] =	wrdreg $0xFFFFFFFF  }
0xad: {  	[dreg:$0x0] =	wrdreg $0x60  }
0xae: {  	[dreg:$0x2] =	wrdreg s24  }
0xaf: {  	[dreg:$0x3] =	wrdreg s2  }
0xb0: {  	[dreg:$0x4] =	wrdreg $0x54000  }
0xb1: {  	[dreg:$0x5] =	wrdreg $0x68000  }
0xb2: {  	[dreg:$0x6] =	wrdreg $0x9  }
0xb3: {  	_ =	task.clear_ibuf [dreg:s7], $0x7FFFF;
	_ =	strace $0x90000046  }
0xb4: {  	s29 =	simm.s32 $0x9;
	_ =	strace $0x80000048  }
0xb5: {  	_ =	swait.ge [sflag:s29], $0x1  }
0xb6: {  	[sflag:s29] =	ssyncadd.s32 $0xFFFFFFFF  }
0xb7: {  	_ =	strace $0x90000048  }
0xb8: {  	_ =	sfence  }
0xb9: {  	s30 =	sld [smem:$0x0];
	_ =	sdelay $0x2  }
0xba: {  	s31 =	sshll.u32 s1, $0xD;
	s1 =	sshrl.u32 s1, $0x2  }
0xbb: {  	s3 =	sand.u32 $0x4000, s31;
	s1 =	sadd.s32 s1, s30  }
0xbc: {  	s0 =	sor.u32 s3, s0;
	s1 =	sshll.u32 s1, $0x11  }
0xbd: {  	s0 =	sor.u32 s1, s0  }
0xbe: {  	s0 =	sadd.s32 $0x8F2B, s0  }
0xbf: {  	[sflag:s0] =	ssyncadd.remote.s32 $0x1  }
0xc0: {  	_ =	sfence.sel $0xFFFF  }
0xc1: {  	[dreg:$0x0] =	wrdreg $0xFFFFFFFF;
	(pc) =	sbr.abs _section_cstart, $3  }
0xc2: {  	[dreg:$0x1] =	wrdreg $0xFFFFFFFF  }
0xc3: {  	_ =	task.clear_ibuf [dreg:s7], $0x2FFFF;
	_ =	strace $0x9FFFFFFF  }
0xc4: {  	(tm) =	ssettm $0x7FFFFFFF  }
0xc5: {  	_ =	shalt  }
tec
execute0_lowered:
.L_overlay_start_1:
0x0: {  	(tag) =	ssettag $0x1  }
0x1: {  	s6 =	rddreg [dreg:$0x0]  }
0x2: {  	s8 =	rddreg [dreg:$0x1]  }
0x3: {  	s2 =	rddreg [dreg:$0x2]  }
0x4: {  	s3 =	rddreg [dreg:$0x3]  }
0x5: {  	s0 =	rddreg [dreg:$0x4];
	s4 =	srdreg.scid  }
0x6: {  	s1 =	stileid.u32;
	s13 =	simm.s32 $0x1;
	s14 =	simm.s32 $0x2800  }
0x7: {  	s18 =	simm.s32 $0x80;
	s19 =	simm.s32 $0x0;
	s5 =	sand.u32 $0x1, s4  }
0x8: {  	s7 =	sshll.u32 s1, $0x1;
	s9 =	smul.u32 $0x1400, s1;
	s4 =	simm.s32 $0x0  }
0x9: {  	s15 =	sshll.u32 s1, $0x6;
	s7 =	sor.u32 s5, s7;
	s10 =	smul.u32 $0x28000, s5  }
0xa: {  	[smem:$0x7FF] =	sst s4;
	s11 =	ssub.s32 $0x2, s5;
	s5 =	sadd.s32 $0x14C00, s6  }
0xb: {  	s15 =	sor.u32 $0x1C01, s15;
	s7 =	smul.u32 $0x500, s7;
	_ =	strace $0x80000047  }
0xc: {  	s12 =	sshrl.u32 s11, $0x1;
	s31 =	sshrl.u32 s9, $0x3;
	s16 =	sadd.s32 s9, s2  }
0xd: {  	s17 =	sadd.s32 s9, s3;
	s10 =	sadd.s32 s9, s10;
	s11 =	ssub.s32 s11, s12  }
0xe: {  	s8 =	sadd.s32 s8, s31;
	s12 =	simm.s32 $0x5000;
	s16 =	sshrl.u32 s16, $0x3  }
0xf: {  	s17 =	sshrl.u32 s17, $0x3;
	s7 =	sadd.s32 s7, s6;
	s10 =	sshrl.u32 s10, $0x3  }
0x10: {  	s11 =	smax.u32 s11, $0x1;
	s10 =	sadd.s32 s10, s6;
	s6 =	sadd.s32 $0xAC00, s7  }
0x11: {  	s7 =	sadd.s32 $0xC00, s7;
	s9 =	sadd.s32 $0x14E00, s10;
	s10 =	sadd.s32 $0x17600, s10  }
.LBB2_1:
0x12: {  	[tilespmem:s12], [sflag:$0x1] =	stream.linear.gather [hbm4b:s5+s4], $0x400, $0x38;
	[tilespmem:$0x7C00] =	vst v63  }
0x13: {  	_ =	swait.ge [sflag:s13], $0x400  }
0x14: {  	[sflag:s13] =	ssyncset.done $0x0  }
0x15: {  	[sflag:s13] =	ssyncadd.s32 $0xFFFFFC00  }
0x16: {  	[tilespmem:s4], [sflag:$0x1] =	stream.linear.gather [hbm4b:s6+s4], $0x2800, $0x38;
	[tilespmem:$0x7C00] =	vst v63  }
0x17: {  	_ =	swait.ge [sflag:s13], $0x2800  }
0x18: {  	[sflag:s13] =	ssyncset.done $0x0  }
0x19: {  	[sflag:s13] =	ssyncadd.s32 $0xFFFFD800  }
0x1a: {  	[tilespmem:s14], [sflag:$0x1] =	stream.linear.gather [hbm4b:s7+s4], $0x2800, $0x38;
	[tilespmem:$0x7C00] =	vst v63  }
0x1b: {  	_ =	swait.ge [sflag:s13], $0x2800  }
0x1c: {  	[sflag:s13] =	ssyncset.done $0x0  }
0x1d: {  	[sflag:s13] =	ssyncadd.s32 $0xFFFFD800  }
0x1e: {  	[spmem:s16], [sflag:s15] =	dma.local [hbm:s8], $0x280  }
0x1f: {  	_ =	swait.ge [sflag:s13], $0x280  }
0x20: {  	[sflag:s13] =	ssyncset.done $0x0  }
0x21: {  	[sflag:s13] =	ssyncadd.s32 $0xFFFFFD80  }
0x22: {  	[spmem:s17], [sflag:s15] =	dma.local [hbm:s8], $0x280  }
0x23: {  	_ =	swait.ge [sflag:s13], $0x280  }
0x24: {  	[sflag:s13] =	ssyncset.done $0x0  }
0x25: {  	[sflag:s13] =	ssyncadd.s32 $0xFFFFFD80  }
0x26: {  	s20 =	simm.s32 $0x0;
	[bflag:$0x0] =	sbarrier.arrive $0xFFFF  }
0x27: {  	[spmem:s2] =	stream.indirect.scatter.add.f32 [tilespmem:s12], [sflag:$0x1], $0x8, s20, s18, $0xb8;
	[tilespmem:$0x7C00] =	vst v63  }
0x28: {  	_ =	swait.ge [sflag:s13], $0x400  }
0x29: {  	[sflag:s13] =	ssyncset.done $0x0  }
0x2a: {  	s31 =	simm.s32 $0x2800;
	[sflag:s13] =	ssyncadd.s32 $0xFFFFFC00  }
0x2b: {  	[spmem:s3] =	stream.indirect.scatter.add.f32 [tilespmem:s12], [sflag:$0x1], $0x8, s31, s18, $0xb8;
	[tilespmem:$0x7C00] =	vst v63  }
0x2c: {  	_ =	swait.ge [sflag:s13], $0x400  }
0x2d: {  	s21 =	simm.s32 $0x400;
	s20 =	simm.s32 $0x200;
	[sflag:s13] =	ssyncset.done $0x0  }
.LBB2_2:
0x2e: {  	s22 =	sshra.s32 s20, $0x2  }
0x2f: {  	[sflag:s13] =	ssyncadd.s32 $0xFFFFFC00;
	s20 =	smov.u32 s21;
	s23 =	sadd.s32 $0x200, s21  }
0x30: {  	[spmem:s2] =	stream.indirect.scatter.add.f32 [tilespmem:s12], [sflag:$0x1], $0x8, s22, s18, $0xb8;
	[tilespmem:$0x7C00] =	vst v63  }
0x31: {  	p0 =	sne.s32 s21, $0x9E00;
	_ =	swait.ge [sflag:s13], $0x400  }
.Ltmp0:
0x32: {  	[sflag:s13] =	ssyncset.done $0x0;
	(pc) =	sbr.rel @p0 .LBB2_2-.Ltmp0, $4  }
0x33: {  	s21 =	sadd.s32 $0x2800, s22;
	[sflag:s13] =	ssyncadd.s32 $0xFFFFFC00  }
0x34: {  	[spmem:s3] =	stream.indirect.scatter.add.f32 [tilespmem:s12], [sflag:$0x1], $0x8, s21, s18, $0xb8;
	[tilespmem:$0x7C00] =	vst v63  }
0x35: {  	_ =	swait.ge [sflag:s13], $0x400  }
0x36: {  	s21 =	smov.u32 s23;
	[sflag:s13] =	ssyncset.done $0x0  }
0x37: {  	s20 =	sshra.s32 s20, $0x2;
	[sflag:s13] =	ssyncadd.s32 $0xFFFFFC00  }
0x38: {  	[spmem:s2] =	stream.indirect.scatter.add.f32 [tilespmem:s12], [sflag:$0x1], $0x8, s20, s18, $0xb8;
	[tilespmem:$0x7C00] =	vst v63  }
0x39: {  	_ =	swait.ge [sflag:s13], $0x400  }
0x3a: {  	[sflag:s13] =	ssyncset.done $0x0  }
0x3b: {  	s20 =	sadd.s32 $0x2800, s20;
	[sflag:s13] =	ssyncadd.s32 $0xFFFFFC00  }
0x3c: {  	[spmem:s3] =	stream.indirect.scatter.add.f32 [tilespmem:s12], [sflag:$0x1], $0x8, s20, s18, $0xb8;
	[tilespmem:$0x7C00] =	vst v63  }
0x3d: {  	_ =	swait.ge [sflag:s13], $0x400  }
0x3e: {  	[sflag:s13] =	ssyncset.done $0x0  }
0x3f: {  	[sflag:s13] =	ssyncadd.s32 $0xFFFFFC00  }
0x40: {  	[bflag:$0x0] =	sbarrier.arrive $0xFFFF  }
0x41: {  	[hbm:s9], [sflag:s15] =	dma.local [spmem:s16], $0x280  }
0x42: {  	s19 =	sadd.s32 $0x1, s19;
	_ =	swait.ge [sflag:s13], $0x280  }
0x43: {  	p0 =	sne.s32 s19, s11;
	[sflag:s13] =	ssyncset.done $0x0  }
.Ltmp1:
0x44: {  	[sflag:s13] =	ssyncadd.s32 $0xFFFFFD80;
	(pc) =	sbr.rel @p0 .LBB2_1-.Ltmp1, $4  }
0x45: {  	[hbm:s10], [sflag:s15] =	dma.local [spmem:s17], $0x280  }
0x46: {  	_ =	swait.ge [sflag:s13], $0x280  }
0x47: {  	[sflag:s13] =	ssyncset.done $0x0  }
0x48: {  	[sflag:s13] =	ssyncadd.s32 $0xFFFFFD80  }
0x49: {  	_ =	sfence.sel $0x180000  }
0x4a: {  	[bflag:$0x0] =	sbarrier.arrive $0xFFFF  }
0x4b: {  	p0 =	sne.s32 s1, $0x0;
	_ =	strace $0x90000047  }
0x4c: {  	s0 =	sadd.s32 @!p0 $0x100000, s0;
	[bflag:$0x2] =	sbarrier.arrive $0xFFFF  }
0x4d: {  	[sflag:s0] =	ssyncadd.tile.s32 @!p0 $0x1;
	_ =	shalt  }
.Lfunc_end2:
_tile_overlayer_lowered:
.L_overlay_start_2:
0x4e: {  	(tag) =	ssettag $0x2  }
0x4f: {  	s0 =	rddreg [dreg:$0x0];
	s2 =	stileid.u32  }
0x50: {  	s1 =	rddreg [dreg:$0x1];
	p0 =	sne.s32 s2, $0x0  }
0x51: {  	s3 =	rddreg [dreg:$0x2];
	[bflag:$0x3] =	sbarrier.arrive $0xFFFF;
	s2 =	simm.s32 @!p0 $0x1C01  }
0x52: {  	[timem:s3], [sflag:s2] =	dma.local @!p0 [hbm:s0], s1  }
0x53: {  	s0 =	simm.s32 @!p0 $0x1  }
0x54: {  	_ =	swait.ge @!p0 [sflag:s0], s1  }
0x55: {  	s1 =	ssub.s32 @!p0 $0x0, s1;
	[sflag:s0] =	ssyncset.done @!p0 $0x0  }
0x56: {  	[sflag:s0] =	ssyncadd.s32 @!p0 s1  }
0x57: {  	[bflag:$0x3] =	sbarrier.arrive $0xFFFF  }
0x58: {  	_ =	shalt  }

</sc_bundles>
